<compile_context>
chip_gen: v7x
topology: tpu7x:2x2x1
jax: 0.10.2.dev20260603
libtpu: 0.0.44.dev20260713+nightly
codegen_flags: <defaults>
</compile_context>

<pallas_src>
import functools

import jax
import jax.numpy as jnp
from jax import lax
from jax.experimental import pallas as pl
from jax.experimental.pallas import tpu as pltpu
from jax.experimental.pallas import tpu_sc as plsc

B = 4096
F = 26
V = 100000
D = 64

NC = 2
NS = 16
NW = NC * NS
LANES = 16

H0 = 50048
H1 = 49920
VT = 99968
NT = 2 * F


def _gather_half(idx_v, row, ob, lo):
  def body(i, pos):
    v16 = idx_v[pl.ds(i * LANES, LANES)]
    off = v16 - lo
    if lo == 0:
      m = v16 < H0
    else:
      m = v16 >= lo
    g = plsc.load_gather(row, [off], mask=m)
    plsc.store_scatter(ob, [pos], g, mask=m)
    return pos + LANES

  lax.fori_loop(0, B // LANES, body, lax.iota(jnp.int32, LANES), unroll=8)


def _emb2_kernel(xt_hbm, tab_hbm, tail_hbm, out_hbm, idxA, idxB, rowA, rowB,
                 obA, obB, semA, semB, semI, semW):
  w = lax.axis_index("s") * NC + lax.axis_index("c")
  roff = lax.rem(2 * ((lax.axis_index("s") * (F // 2)) // NS)
                 + lax.axis_index("c") * 12, F)

  def fire_h0(f, d):
    pltpu.async_copy(tab_hbm.at[f, d, pl.ds(0, H0)], rowA, semA)

  def fire_h1(f, d):
    pltpu.async_copy(tab_hbm.at[f, d, pl.ds(H0, H1)], rowB.at[pl.ds(0, H1)],
                     semB)
    pltpu.async_copy(tail_hbm.at[f, d], rowB.at[pl.ds(H1, 128)], semB)

  fire_h0(roff, w)
  fire_h1(roff, w)
  pltpu.async_copy(xt_hbm.at[roff], idxA, semI)

  def half_task(f, d, fn, dn, idx_v, ob, fire_pred=None):
    pltpu.make_async_copy(tab_hbm.at[f, d, pl.ds(0, H0)], rowA, semA).wait()
    _gather_half(idx_v, rowA, ob, 0)

    if fire_pred is None:
      fire_h0(fn, dn)
    else:
      @pl.when(fire_pred)
      def _():
        fire_h0(fn, dn)

    pltpu.make_async_copy(tab_hbm.at[f, d, pl.ds(H0, H1)],
                          rowB.at[pl.ds(0, H1)], semB).wait()
    pltpu.make_async_copy(tail_hbm.at[f, d], rowB.at[pl.ds(H1, 128)],
                          semB).wait()
    _gather_half(idx_v, rowB, ob, H0)

    if fire_pred is None:
      fire_h1(fn, dn)
    else:
      @pl.when(fire_pred)
      def _():
        fire_h1(fn, dn)

    pltpu.async_copy(ob, out_hbm.at[f, d], semW)

  def pair_body(j, _):
    f0 = lax.rem(2 * j + roff, F)
    f1 = f0 + 1
    f0n = lax.rem(f0 + 2, F)

    pltpu.make_async_copy(xt_hbm.at[f0], idxA, semI).wait()
    pltpu.async_copy(xt_hbm.at[f1], idxB, semI)

    @pl.when(j > 0)
    def _():
      pltpu.make_async_copy(obA, out_hbm.at[0, w], semW).wait()
    half_task(f0, w, f0, NW + w, idxA, obA)

    @pl.when(j > 0)
    def _():
      pltpu.make_async_copy(obB, out_hbm.at[0, w], semW).wait()
    half_task(f0, NW + w, f1, w, idxA, obB)

    pltpu.make_async_copy(xt_hbm.at[f1], idxB, semI).wait()

    @pl.when(j + 1 < F // 2)
    def _():
      pltpu.async_copy(xt_hbm.at[f0n], idxA, semI)

    pltpu.make_async_copy(obA, out_hbm.at[0, w], semW).wait()
    half_task(f1, w, f1, NW + w, idxB, obA)

    pltpu.make_async_copy(obB, out_hbm.at[0, w], semW).wait()
    half_task(f1, NW + w, f0n, w, idxB, obB, fire_pred=j + 1 < F // 2)
    return 0

  lax.fori_loop(0, F // 2, pair_body, 0)
  pltpu.make_async_copy(obA, out_hbm.at[0, w], semW).wait()
  pltpu.make_async_copy(obB, out_hbm.at[0, w], semW).wait()


@jax.jit
def _emb2(xt, tab_p, tab_tail):
  mesh = plsc.VectorSubcoreMesh(
      core_axis_name="c", subcore_axis_name="s", num_cores=NC, num_subcores=NS
  )
  return pl.kernel(
      _emb2_kernel,
      out_type=jax.ShapeDtypeStruct((F, D, B), jnp.float32),
      mesh=mesh,
      scratch_types=[
          pltpu.VMEM((B,), jnp.int32),
          pltpu.VMEM((B,), jnp.int32),
          pltpu.VMEM((H0,), jnp.float32),
          pltpu.VMEM((H1 + 128,), jnp.float32),
          pltpu.VMEM((B,), jnp.float32),
          pltpu.VMEM((B,), jnp.float32),
          pltpu.SemaphoreType.DMA,
          pltpu.SemaphoreType.DMA,
          pltpu.SemaphoreType.DMA,
          pltpu.SemaphoreType.DMA,
      ],
      compiler_params=pltpu.CompilerParams(needs_layout_passes=False),
  )(xt, tab_p, tab_tail)


def kernel(X, tables):
  xt = X.T
  tab_p = tables.transpose(0, 2, 1)
  tab_tail = jnp.pad(tables[:, VT:, :].transpose(0, 2, 1), ((0, 0), (0, 0), (0, 96)))
  out_p = _emb2(xt, tab_p, tab_tail)
  return out_p.transpose(2, 0, 1)

# --- scband reference (transcript-rebuilt; emitter-appended) ---
"""Pipeline reference for scband-embedding-layer-19481971655028 (READ-ONLY COPY).

The authoritative reference and input builder live on the scoring server;
editing this copy changes nothing except your own understanding.
"""

import jax, jax.numpy as jnp
import numpy as np

B = 4096
F = 26
V = 100000
D = 64


def setup_inputs(seed: int = 0) -> dict:
    key = jax.random.key(seed)
    k1, k2 = jax.random.split(key)
    X = jax.random.randint(k1, (B, F), 0, V).astype(jnp.int32)
    # 26 categorical embedding tables, stacked: [F, V, D]
    tables = (jax.random.normal(k2, (F, V, D), dtype=jnp.float32) * 0.01)
    # padding_idx = vocab_size - 1 -> zero row, matching nn.Embedding(padding_idx=V-1)
    tables = tables.at[:, V - 1, :].set(0.0)
    return {"X": X, "tables": tables}


def reference(X, tables):
    # Faithful translation of EmbeddingLayer.forward with all-categorical features:
    # for each feature f: emb_f = embedding_layer[f](X[:, f])  -> table gather
    # Returned as stacked [B, F, D] (the list of per-feature [B, D] embeddings).
    feat_ids = jnp.arange(tables.shape[0])[None, :]  # [1, F]
    emb = tables[feat_ids, X]  # gather: out[b, f] = tables[f, X[b, f]] -> [B, F, D]
    return emb

if __name__ == "__main__":
    import jax
    _d = setup_inputs()
    print(jax.jit(kernel)(*tuple(_d.values())))

</pallas_src>

<mosaic_0001>
#map = affine_map<(d0, d1) -> (0, 0)>
#map1 = affine_map<(d0, d1) -> (0, 0, 0)>
module attributes {stable_mosaic.version = 14 : i64} {
  func.func @_emb2_kernel(%arg0: i32, %arg1: i32, %arg2: memref<26x4096xi32, #tpu.memory_space<hbm>>, %arg3: memref<26x64x100000xf32, #tpu.memory_space<hbm>>, %arg4: memref<26x64x128xf32, #tpu.memory_space<hbm>>, %arg5: memref<26x64x4096xf32, #tpu.memory_space<hbm>>, %arg6: memref<4096xi32, #tpu.memory_space<vmem>>, %arg7: memref<4096xi32, #tpu.memory_space<vmem>>, %arg8: memref<50048xf32, #tpu.memory_space<vmem>>, %arg9: memref<50048xf32, #tpu.memory_space<vmem>>, %arg10: memref<4096xf32, #tpu.memory_space<vmem>>, %arg11: memref<4096xf32, #tpu.memory_space<vmem>>, %arg12: memref<!tpu.dma_semaphore, #tpu.memory_space<semaphore_mem>>, %arg13: memref<!tpu.dma_semaphore, #tpu.memory_space<semaphore_mem>>, %arg14: memref<!tpu.dma_semaphore, #tpu.memory_space<semaphore_mem>>, %arg15: memref<!tpu.dma_semaphore, #tpu.memory_space<semaphore_mem>>) attributes {dimension_semantics = [#tpu.dimension_semantics<core_parallel>, #tpu.dimension_semantics<subcore_parallel>], iteration_bounds = array<i64: 2, 16>, scalar_prefetch = 0 : i64, scratch_operands = 10 : i64, tpu.core_type = #tpu.core_type<sc_vector_subcore>, window_params = [{transform_indices = #map}, {transform_indices = #map1}, {transform_indices = #map1}, {transform_indices = #map1}]} {
    %mul3A = arith.constant 2 : i32
    %mul3A_0 = arith.muli %arg1, %mul3A : i32
    %add3A = arith.addi %mul3A_0, %arg0 : i32
    %mul3A_1 = arith.constant 13 : i32
    %mul3A_2 = arith.muli %arg1, %mul3A_1 : i32
    %jit3A = arith.constant 16 : i32
    %div3A = arith.divsi %mul3A_2, %jit3A : i32
    %sign3A = arith.constant 0 : i32
    %sign3A_3 = arith.cmpi sgt, %mul3A_2, %sign3A : i32
    %sign3A_4 = arith.extui %sign3A_3 : i1 to i32
    %sign3A_5 = arith.constant 0 : i32
    %sign3A_6 = arith.cmpi slt, %mul3A_2, %sign3A_5 : i32
    %sign3A_7 = arith.extui %sign3A_6 : i1 to i32
    %sign3A_8 = arith.subi %sign3A_4, %sign3A_7 : i32
    %sign3A_9 = arith.constant 0 : i32
    %sign3A_10 = arith.cmpi sgt, %jit3A, %sign3A_9 : i32
    %sign3A_11 = arith.extui %sign3A_10 : i1 to i32
    %sign3A_12 = arith.constant 0 : i32
    %sign3A_13 = arith.cmpi slt, %jit3A, %sign3A_12 : i32
    %sign3A_14 = arith.extui %sign3A_13 : i1 to i32
    %sign3A_15 = arith.subi %sign3A_11, %sign3A_14 : i32
    %ne3A = arith.cmpi ne, %sign3A_8, %sign3A_15 : i32
    %rem3A = arith.remsi %mul3A_2, %jit3A : i32
    %ne3A_16 = arith.constant 0 : i32
    %ne3A_17 = arith.cmpi ne, %rem3A, %ne3A_16 : i32
    %and3A = arith.andi %ne3A, %ne3A_17 : i1
    %sub3A = arith.constant 1 : i32
    %sub3A_18 = arith.subi %div3A, %sub3A : i32
    %select_n3A = arith.select %and3A, %sub3A_18, %div3A : i32
    %mul3A_19 = arith.constant 2 : i32
    %mul3A_20 = arith.muli %mul3A_19, %select_n3A : i32
    %mul3A_21 = arith.constant 12 : i32
    %mul3A_22 = arith.muli %arg0, %mul3A_21 : i32
    %add3A_23 = arith.addi %mul3A_20, %mul3A_22 : i32
    %rem3A_24 = arith.constant 26 : i32
    %rem3A_25 = arith.remsi %add3A_23, %rem3A_24 : i32
    %dma_start3A = arith.constant 0 : i32
    %dma_start3A_26 = tpu.memref_slice %arg3[%rem3A_25, %add3A, %dma_start3A] : memref<26x64x100000xf32, #tpu.memory_space<hbm>> -> memref<1x1x50048xf32, #tpu.memory_space<hbm>>
    %dma_start3A_27 = tpu.memref_squeeze %dma_start3A_26 : memref<1x1x50048xf32, #tpu.memory_space<hbm>> -> memref<50048xf32, #tpu.memory_space<hbm>>
    %dma_start3A_28 = arith.constant 0 : i32
    %dma_start3A_29 = tpu.memref_slice %arg3[%rem3A_25, %add3A, %dma_start3A_28] : memref<26x64x100000xf32, #tpu.memory_space<hbm>> -> memref<1x1x50048xf32, #tpu.memory_space<hbm>>
    %dma_start3A_30 = tpu.memref_squeeze %dma_start3A_29 : memref<1x1x50048xf32, #tpu.memory_space<hbm>> -> memref<50048xf32, #tpu.memory_space<hbm>>
    tpu.enqueue_dma source(%dma_start3A_30 : memref<50048xf32, #tpu.memory_space<hbm>>) target(%arg8 : memref<50048xf32, #tpu.memory_space<vmem>>) target_semaphore(%arg12 : memref<!tpu.dma_semaphore, #tpu.memory_space<semaphore_mem>>)
    %dma_start3A_31 = arith.constant 0 : i32
    %dma_start3A_32 = tpu.memref_slice %arg9[%dma_start3A_31] : memref<50048xf32, #tpu.memory_space<vmem>> -> memref<49920xf32, #tpu.memory_space<vmem>>
    %dma_start3A_33 = arith.constant 50048 : i32
    %dma_start3A_34 = tpu.memref_slice %arg3[%rem3A_25, %add3A, %dma_start3A_33] : memref<26x64x100000xf32, #tpu.memory_space<hbm>> -> memref<1x1x49920xf32, #tpu.memory_space<hbm>>
    %dma_start3A_35 = tpu.memref_squeeze %dma_start3A_34 : memref<1x1x49920xf32, #tpu.memory_space<hbm>> -> memref<49920xf32, #tpu.memory_space<hbm>>
    %dma_start3A_36 = arith.constant 0 : i32
    %dma_start3A_37 = tpu.memref_slice %arg9[%dma_start3A_36] : memref<50048xf32, #tpu.memory_space<vmem>> -> memref<49920xf32, #tpu.memory_space<vmem>>
    %dma_start3A_38 = arith.constant 50048 : i32
    %dma_start3A_39 = tpu.memref_slice %arg3[%rem3A_25, %add3A, %dma_start3A_38] : memref<26x64x100000xf32, #tpu.memory_space<hbm>> -> memref<1x1x49920xf32, #tpu.memory_space<hbm>>
    %dma_start3A_40 = tpu.memref_squeeze %dma_start3A_39 : memref<1x1x49920xf32, #tpu.memory_space<hbm>> -> memref<49920xf32, #tpu.memory_space<hbm>>
    tpu.enqueue_dma source(%dma_start3A_40 : memref<49920xf32, #tpu.memory_space<hbm>>) target(%dma_start3A_37 : memref<49920xf32, #tpu.memory_space<vmem>>) target_semaphore(%arg13 : memref<!tpu.dma_semaphore, #tpu.memory_space<semaphore_mem>>)
    %dma_start3A_41 = arith.constant 49920 : i32
    %dma_start3A_42 = tpu.memref_slice %arg9[%dma_start3A_41] : memref<50048xf32, #tpu.memory_space<vmem>> -> memref<128xf32, #tpu.memory_space<vmem>>
    %dma_start3A_43 = arith.constant 0 : i32
    %dma_start3A_44 = tpu.memref_slice %arg4[%rem3A_25, %add3A, %dma_start3A_43] : memref<26x64x128xf32, #tpu.memory_space<hbm>> -> memref<1x1x128xf32, #tpu.memory_space<hbm>>
    %dma_start3A_45 = tpu.memref_squeeze %dma_start3A_44 : memref<1x1x128xf32, #tpu.memory_space<hbm>> -> memref<128xf32, #tpu.memory_space<hbm>>
    %dma_start3A_46 = arith.constant 49920 : i32
    %dma_start3A_47 = tpu.memref_slice %arg9[%dma_start3A_46] : memref<50048xf32, #tpu.memory_space<vmem>> -> memref<128xf32, #tpu.memory_space<vmem>>
    %dma_start3A_48 = arith.constant 0 : i32
    %dma_start3A_49 = tpu.memref_slice %arg4[%rem3A_25, %add3A, %dma_start3A_48] : memref<26x64x128xf32, #tpu.memory_space<hbm>> -> memref<1x1x128xf32, #tpu.memory_space<hbm>>
    %dma_start3A_50 = tpu.memref_squeeze %dma_start3A_49 : memref<1x1x128xf32, #tpu.memory_space<hbm>> -> memref<128xf32, #tpu.memory_space<hbm>>
    tpu.enqueue_dma source(%dma_start3A_50 : memref<128xf32, #tpu.memory_space<hbm>>) target(%dma_start3A_47 : memref<128xf32, #tpu.memory_space<vmem>>) target_semaphore(%arg13 : memref<!tpu.dma_semaphore, #tpu.memory_space<semaphore_mem>>)
    %dma_start3A_51 = arith.constant 0 : i32
    %dma_start3A_52 = tpu.memref_slice %arg2[%rem3A_25, %dma_start3A_51] : memref<26x4096xi32, #tpu.memory_space<hbm>> -> memref<1x4096xi32, #tpu.memory_space<hbm>>
    %dma_start3A_53 = tpu.memref_squeeze %dma_start3A_52 : memref<1x4096xi32, #tpu.memory_space<hbm>> -> memref<4096xi32, #tpu.memory_space<hbm>>
    %dma_start3A_54 = arith.constant 0 : i32
    %dma_start3A_55 = tpu.memref_slice %arg2[%rem3A_25, %dma_start3A_54] : memref<26x4096xi32, #tpu.memory_space<hbm>> -> memref<1x4096xi32, #tpu.memory_space<hbm>>
    %dma_start3A_56 = tpu.memref_squeeze %dma_start3A_55 : memref<1x4096xi32, #tpu.memory_space<hbm>> -> memref<4096xi32, #tpu.memory_space<hbm>>
    tpu.enqueue_dma source(%dma_start3A_56 : memref<4096xi32, #tpu.memory_space<hbm>>) target(%arg6 : memref<4096xi32, #tpu.memory_space<vmem>>) target_semaphore(%arg14 : memref<!tpu.dma_semaphore, #tpu.memory_space<semaphore_mem>>)
    %scan3A = arith.constant 0 : i32
    %scan3A_57 = arith.constant 0 : i32
    %scan3A_58 = arith.constant 13 : i32
    %scan3A_59 = arith.addi %scan3A_57, %scan3A_58 : i32
    %scan3A_60 = arith.constant 1 : i32
    %scan3A_61 = scf.for %scan3A_76 = %scan3A_57 to %scan3A_59 step %scan3A_60 iter_args(%scan3A_77 = %scan3A) -> (i32)  : i32 {
      %mul3A_78 = arith.constant 2 : i32
      %mul3A_79 = arith.muli %mul3A_78, %scan3A_76 : i32
      %add3A_80 = arith.addi %mul3A_79, %rem3A_25 : i32
      %rem3A_81 = arith.constant 26 : i32
      %rem3A_82 = arith.remsi %add3A_80, %rem3A_81 : i32
      %add3A_83 = arith.constant 1 : i32
      %add3A_84 = arith.addi %rem3A_82, %add3A_83 : i32
      %add3A_85 = arith.constant 2 : i32
      %add3A_86 = arith.addi %rem3A_82, %add3A_85 : i32
      %rem3A_87 = arith.constant 26 : i32
      %rem3A_88 = arith.remsi %add3A_86, %rem3A_87 : i32
      %dma_wait3A_89 = arith.constant 0 : i32
      %dma_wait3A_90 = tpu.memref_slice %arg2[%rem3A_82, %dma_wait3A_89] : memref<26x4096xi32, #tpu.memory_space<hbm>> -> memref<1x4096xi32, #tpu.memory_space<hbm>>
      %dma_wait3A_91 = tpu.memref_squeeze %dma_wait3A_90 : memref<1x4096xi32, #tpu.memory_space<hbm>> -> memref<4096xi32, #tpu.memory_space<hbm>>
      %dma_wait3A_92 = arith.constant 0 : i32
      %dma_wait3A_93 = tpu.memref_slice %arg2[%rem3A_82, %dma_wait3A_92] : memref<26x4096xi32, #tpu.memory_space<hbm>> -> memref<1x4096xi32, #tpu.memory_space<hbm>>
      %dma_wait3A_94 = tpu.memref_squeeze %dma_wait3A_93 : memref<1x4096xi32, #tpu.memory_space<hbm>> -> memref<4096xi32, #tpu.memory_space<hbm>>
      tpu.wait_dma2 semaphore(%arg14 : memref<!tpu.dma_semaphore, #tpu.memory_space<semaphore_mem>>) src(%dma_wait3A_94 : memref<4096xi32, #tpu.memory_space<hbm>>) dst(%arg6 : memref<4096xi32, #tpu.memory_space<vmem>>)
      %dma_start3A_95 = arith.constant 0 : i32
      %dma_start3A_96 = tpu.memref_slice %arg2[%add3A_84, %dma_start3A_95] : memref<26x4096xi32, #tpu.memory_space<hbm>> -> memref<1x4096xi32, #tpu.memory_space<hbm>>
      %dma_start3A_97 = tpu.memref_squeeze %dma_start3A_96 : memref<1x4096xi32, #tpu.memory_space<hbm>> -> memref<4096xi32, #tpu.memory_space<hbm>>
      %dma_start3A_98 = arith.constant 0 : i32
      %dma_start3A_99 = tpu.memref_slice %arg2[%add3A_84, %dma_start3A_98] : memref<26x4096xi32, #tpu.memory_space<hbm>> -> memref<1x4096xi32, #tpu.memory_space<hbm>>
      %dma_start3A_100 = tpu.memref_squeeze %dma_start3A_99 : memref<1x4096xi32, #tpu.memory_space<hbm>> -> memref<4096xi32, #tpu.memory_space<hbm>>
      tpu.enqueue_dma source(%dma_start3A_100 : memref<4096xi32, #tpu.memory_space<hbm>>) target(%arg7 : memref<4096xi32, #tpu.memory_space<vmem>>) target_semaphore(%arg14 : memref<!tpu.dma_semaphore, #tpu.memory_space<semaphore_mem>>)
      %gt3A = arith.constant 0 : i32
      %gt3A_101 = arith.cmpi sgt, %scan3A_76, %gt3A : i32
      %convert_element_type3A = arith.extui %gt3A_101 : i1 to i32
      %cond3A = arith.constant 0 : i32
      %cond3A_102 = arith.cmpi ne, %convert_element_type3A, %cond3A : i32
      scf.if %cond3A_102 {
        %dma_wait3A_414 = arith.constant 0 : i32
        %dma_wait3A_415 = arith.constant 0 : i32
        %dma_wait3A_416 = tpu.memref_slice %arg5[%dma_wait3A_414, %add3A, %dma_wait3A_415] : memref<26x64x4096xf32, #tpu.memory_space<hbm>> -> memref<1x1x4096xf32, #tpu.memory_space<hbm>>
        %dma_wait3A_417 = tpu.memref_squeeze %dma_wait3A_416 : memref<1x1x4096xf32, #tpu.memory_space<hbm>> -> memref<4096xf32, #tpu.memory_space<hbm>>
        %dma_wait3A_418 = arith.constant 0 : i32
        %dma_wait3A_419 = tpu.memref_slice %arg5[%dma_wait3A_414, %add3A, %dma_wait3A_418] : memref<26x64x4096xf32, #tpu.memory_space<hbm>> -> memref<1x1x4096xf32, #tpu.memory_space<hbm>>
        %dma_wait3A_420 = tpu.memref_squeeze %dma_wait3A_419 : memref<1x1x4096xf32, #tpu.memory_space<hbm>> -> memref<4096xf32, #tpu.memory_space<hbm>>
        tpu.wait_dma2 semaphore(%arg15 : memref<!tpu.dma_semaphore, #tpu.memory_space<semaphore_mem>>) src(%arg10 : memref<4096xf32, #tpu.memory_space<vmem>>) dst(%dma_wait3A_420 : memref<4096xf32, #tpu.memory_space<hbm>>)
      } else {
      }
      %add3A_103 = arith.constant 32 : i32
      %add3A_104 = arith.addi %add3A_103, %add3A : i32
      %dma_wait3A_105 = arith.constant 0 : i32
      %dma_wait3A_106 = tpu.memref_slice %arg3[%rem3A_82, %add3A, %dma_wait3A_105] : memref<26x64x100000xf32, #tpu.memory_space<hbm>> -> memref<1x1x50048xf32, #tpu.memory_space<hbm>>
      %dma_wait3A_107 = tpu.memref_squeeze %dma_wait3A_106 : memref<1x1x50048xf32, #tpu.memory_space<hbm>> -> memref<50048xf32, #tpu.memory_space<hbm>>
      %dma_wait3A_108 = arith.constant 0 : i32
      %dma_wait3A_109 = tpu.memref_slice %arg3[%rem3A_82, %add3A, %dma_wait3A_108] : memref<26x64x100000xf32, #tpu.memory_space<hbm>> -> memref<1x1x50048xf32, #tpu.memory_space<hbm>>
      %dma_wait3A_110 = tpu.memref_squeeze %dma_wait3A_109 : memref<1x1x50048xf32, #tpu.memory_space<hbm>> -> memref<50048xf32, #tpu.memory_space<hbm>>
      tpu.wait_dma2 semaphore(%arg12 : memref<!tpu.dma_semaphore, #tpu.memory_space<semaphore_mem>>) src(%dma_wait3A_110 : memref<50048xf32, #tpu.memory_space<hbm>>) dst(%arg8 : memref<50048xf32, #tpu.memory_space<vmem>>)
      %iota3A = tpu.iota {dimensions = array<i32: 0>} : vector<16xi32>
      %scan3A_111 = arith.constant 0 : i32
      %scan3A_112 = arith.constant 256 : i32
      %scan3A_113 = arith.addi %scan3A_111, %scan3A_112 : i32
      %scan3A_114 = arith.constant 8 : i32
      %scan3A_115 = scf.for %scan3A_414 = %scan3A_111 to %scan3A_113 step %scan3A_114 iter_args(%scan3A_415 = %iota3A) -> (vector<16xi32>)  : i32 {
        %mul3A_416 = arith.constant 16 : i32
        %mul3A_417 = arith.muli %scan3A_414, %mul3A_416 : i32
        %get3A = arith.index_cast %mul3A_417 : i32 to index
        %get3A_418 = tpu.vector_load %arg6[%get3A] {strides = array<i32>} : memref<4096xi32, #tpu.memory_space<vmem>>, vector<16xi32>,
        %sub3A_419 = arith.constant 0 : i32
        %sub3A_420 = vector.broadcast %sub3A_419 : i32 to vector<16xi32>
        %sub3A_421 = arith.subi %get3A_418, %sub3A_420 : vector<16xi32>
        %lt3A_422 = arith.constant 50048 : i32
        %lt3A_423 = vector.broadcast %lt3A_422 : i32 to vector<16xi32>
        %lt3A_424 = arith.cmpi slt, %get3A_418, %lt3A_423 : vector<16xi32>
        %gather3A = tpu.vector_load_idx %arg8[%sub3A_421] masked %lt3A_424 : memref<50048xf32, #tpu.memory_space<vmem>>[vector<16xi32>], vector<16xf32>, vector<16xi1>
        tpu.vector_store_idx %arg10[%scan3A_415], %gather3A masked %lt3A_424 : memref<4096xf32, #tpu.memory_space<vmem>>[vector<16xi32>], vector<16xf32>, vector<16xi1>
        %add3A_425 = arith.constant 16 : i32
        %add3A_426 = vector.broadcast %add3A_425 : i32 to vector<16xi32>
        %add3A_427 = arith.addi %scan3A_415, %add3A_426 : vector<16xi32>
        %scan3A_428 = arith.constant 1 : i32
        %scan3A_429 = arith.addi %scan3A_414, %scan3A_428 : i32
        %mul3A_430 = arith.constant 16 : i32
        %mul3A_431 = arith.muli %scan3A_429, %mul3A_430 : i32
        %get3A_432 = arith.index_cast %mul3A_431 : i32 to index
        %get3A_433 = tpu.vector_load %arg6[%get3A_432] {strides = array<i32>} : memref<4096xi32, #tpu.memory_space<vmem>>, vector<16xi32>,
        %sub3A_434 = arith.constant 0 : i32
        %sub3A_435 = vector.broadcast %sub3A_434 : i32 to vector<16xi32>
        %sub3A_436 = arith.subi %get3A_433, %sub3A_435 : vector<16xi32>
        %lt3A_437 = arith.constant 50048 : i32
        %lt3A_438 = vector.broadcast %lt3A_437 : i32 to vector<16xi32>
        %lt3A_439 = arith.cmpi slt, %get3A_433, %lt3A_438 : vector<16xi32>
        %gather3A_440 = tpu.vector_load_idx %arg8[%sub3A_436] masked %lt3A_439 : memref<50048xf32, #tpu.memory_space<vmem>>[vector<16xi32>], vector<16xf32>, vector<16xi1>
        tpu.vector_store_idx %arg10[%add3A_427], %gather3A_440 masked %lt3A_439 : memref<4096xf32, #tpu.memory_space<vmem>>[vector<16xi32>], vector<16xf32>, vector<16xi1>
        %add3A_441 = arith.constant 16 : i32
        %add3A_442 = vector.broadcast %add3A_441 : i32 to vector<16xi32>
        %add3A_443 = arith.addi %add3A_427, %add3A_442 : vector<16xi32>
        %scan3A_444 = arith.constant 2 : i32
        %scan3A_445 = arith.addi %scan3A_414, %scan3A_444 : i32
        %mul3A_446 = arith.constant 16 : i32
        %mul3A_447 = arith.muli %scan3A_445, %mul3A_446 : i32
        %get3A_448 = arith.index_cast %mul3A_447 : i32 to index
        %get3A_449 = tpu.vector_load %arg6[%get3A_448] {strides = array<i32>} : memref<4096xi32, #tpu.memory_space<vmem>>, vector<16xi32>,
        %sub3A_450 = arith.constant 0 : i32
        %sub3A_451 = vector.broadcast %sub3A_450 : i32 to vector<16xi32>
        %sub3A_452 = arith.subi %get3A_449, %sub3A_451 : vector<16xi32>
        %lt3A_453 = arith.constant 50048 : i32
        %lt3A_454 = vector.broadcast %lt3A_453 : i32 to vector<16xi32>
        %lt3A_455 = arith.cmpi slt, %get3A_449, %lt3A_454 : vector<16xi32>
        %gather3A_456 = tpu.vector_load_idx %arg8[%sub3A_452] masked %lt3A_455 : memref<50048xf32, #tpu.memory_space<vmem>>[vector<16xi32>], vector<16xf32>, vector<16xi1>
        tpu.vector_store_idx %arg10[%add3A_443], %gather3A_456 masked %lt3A_455 : memref<4096xf32, #tpu.memory_space<vmem>>[vector<16xi32>], vector<16xf32>, vector<16xi1>
        %add3A_457 = arith.constant 16 : i32
        %add3A_458 = vector.broadcast %add3A_457 : i32 to vector<16xi32>
        %add3A_459 = arith.addi %add3A_443, %add3A_458 : vector<16xi32>
        %scan3A_460 = arith.constant 3 : i32
        %scan3A_461 = arith.addi %scan3A_414, %scan3A_460 : i32
        %mul3A_462 = arith.constant 16 : i32
        %mul3A_463 = arith.muli %scan3A_461, %mul3A_462 : i32
        %get3A_464 = arith.index_cast %mul3A_463 : i32 to index
        %get3A_465 = tpu.vector_load %arg6[%get3A_464] {strides = array<i32>} : memref<4096xi32, #tpu.memory_space<vmem>>, vector<16xi32>,
        %sub3A_466 = arith.constant 0 : i32
        %sub3A_467 = vector.broadcast %sub3A_466 : i32 to vector<16xi32>
        %sub3A_468 = arith.subi %get3A_465, %sub3A_467 : vector<16xi32>
        %lt3A_469 = arith.constant 50048 : i32
        %lt3A_470 = vector.broadcast %lt3A_469 : i32 to vector<16xi32>
        %lt3A_471 = arith.cmpi slt, %get3A_465, %lt3A_470 : vector<16xi32>
        %gather3A_472 = tpu.vector_load_idx %arg8[%sub3A_468] masked %lt3A_471 : memref<50048xf32, #tpu.memory_space<vmem>>[vector<16xi32>], vector<16xf32>, vector<16xi1>
        tpu.vector_store_idx %arg10[%add3A_459], %gather3A_472 masked %lt3A_471 : memref<4096xf32, #tpu.memory_space<vmem>>[vector<16xi32>], vector<16xf32>, vector<16xi1>
        %add3A_473 = arith.constant 16 : i32
        %add3A_474 = vector.broadcast %add3A_473 : i32 to vector<16xi32>
        %add3A_475 = arith.addi %add3A_459, %add3A_474 : vector<16xi32>
        %scan3A_476 = arith.constant 4 : i32
        %scan3A_477 = arith.addi %scan3A_414, %scan3A_476 : i32
        %mul3A_478 = arith.constant 16 : i32
        %mul3A_479 = arith.muli %scan3A_477, %mul3A_478 : i32
        %get3A_480 = arith.index_cast %mul3A_479 : i32 to index
        %get3A_481 = tpu.vector_load %arg6[%get3A_480] {strides = array<i32>} : memref<4096xi32, #tpu.memory_space<vmem>>, vector<16xi32>,
        %sub3A_482 = arith.constant 0 : i32
        %sub3A_483 = vector.broadcast %sub3A_482 : i32 to vector<16xi32>
        %sub3A_484 = arith.subi %get3A_481, %sub3A_483 : vector<16xi32>
        %lt3A_485 = arith.constant 50048 : i32
        %lt3A_486 = vector.broadcast %lt3A_485 : i32 to vector<16xi32>
        %lt3A_487 = arith.cmpi slt, %get3A_481, %lt3A_486 : vector<16xi32>
        %gather3A_488 = tpu.vector_load_idx %arg8[%sub3A_484] masked %lt3A_487 : memref<50048xf32, #tpu.memory_space<vmem>>[vector<16xi32>], vector<16xf32>, vector<16xi1>
        tpu.vector_store_idx %arg10[%add3A_475], %gather3A_488 masked %lt3A_487 : memref<4096xf32, #tpu.memory_space<vmem>>[vector<16xi32>], vector<16xf32>, vector<16xi1>
        %add3A_489 = arith.constant 16 : i32
        %add3A_490 = vector.broadcast %add3A_489 : i32 to vector<16xi32>
        %add3A_491 = arith.addi %add3A_475, %add3A_490 : vector<16xi32>
        %scan3A_492 = arith.constant 5 : i32
        %scan3A_493 = arith.addi %scan3A_414, %scan3A_492 : i32
        %mul3A_494 = arith.constant 16 : i32
        %mul3A_495 = arith.muli %scan3A_493, %mul3A_494 : i32
        %get3A_496 = arith.index_cast %mul3A_495 : i32 to index
        %get3A_497 = tpu.vector_load %arg6[%get3A_496] {strides = array<i32>} : memref<4096xi32, #tpu.memory_space<vmem>>, vector<16xi32>,
        %sub3A_498 = arith.constant 0 : i32
        %sub3A_499 = vector.broadcast %sub3A_498 : i32 to vector<16xi32>
        %sub3A_500 = arith.subi %get3A_497, %sub3A_499 : vector<16xi32>
        %lt3A_501 = arith.constant 50048 : i32
        %lt3A_502 = vector.broadcast %lt3A_501 : i32 to vector<16xi32>
        %lt3A_503 = arith.cmpi slt, %get3A_497, %lt3A_502 : vector<16xi32>
        %gather3A_504 = tpu.vector_load_idx %arg8[%sub3A_500] masked %lt3A_503 : memref<50048xf32, #tpu.memory_space<vmem>>[vector<16xi32>], vector<16xf32>, vector<16xi1>
        tpu.vector_store_idx %arg10[%add3A_491], %gather3A_504 masked %lt3A_503 : memref<4096xf32, #tpu.memory_space<vmem>>[vector<16xi32>], vector<16xf32>, vector<16xi1>
        %add3A_505 = arith.constant 16 : i32
        %add3A_506 = vector.broadcast %add3A_505 : i32 to vector<16xi32>
        %add3A_507 = arith.addi %add3A_491, %add3A_506 : vector<16xi32>
        %scan3A_508 = arith.constant 6 : i32
        %scan3A_509 = arith.addi %scan3A_414, %scan3A_508 : i32
        %mul3A_510 = arith.constant 16 : i32
        %mul3A_511 = arith.muli %scan3A_509, %mul3A_510 : i32
        %get3A_512 = arith.index_cast %mul3A_511 : i32 to index
        %get3A_513 = tpu.vector_load %arg6[%get3A_512] {strides = array<i32>} : memref<4096xi32, #tpu.memory_space<vmem>>, vector<16xi32>,
        %sub3A_514 = arith.constant 0 : i32
        %sub3A_515 = vector.broadcast %sub3A_514 : i32 to vector<16xi32>
        %sub3A_516 = arith.subi %get3A_513, %sub3A_515 : vector<16xi32>
        %lt3A_517 = arith.constant 50048 : i32
        %lt3A_518 = vector.broadcast %lt3A_517 : i32 to vector<16xi32>
        %lt3A_519 = arith.cmpi slt, %get3A_513, %lt3A_518 : vector<16xi32>
        %gather3A_520 = tpu.vector_load_idx %arg8[%sub3A_516] masked %lt3A_519 : memref<50048xf32, #tpu.memory_space<vmem>>[vector<16xi32>], vector<16xf32>, vector<16xi1>
        tpu.vector_store_idx %arg10[%add3A_507], %gather3A_520 masked %lt3A_519 : memref<4096xf32, #tpu.memory_space<vmem>>[vector<16xi32>], vector<16xf32>, vector<16xi1>
        %add3A_521 = arith.constant 16 : i32
        %add3A_522 = vector.broadcast %add3A_521 : i32 to vector<16xi32>
        %add3A_523 = arith.addi %add3A_507, %add3A_522 : vector<16xi32>
        %scan3A_524 = arith.constant 7 : i32
        %scan3A_525 = arith.addi %scan3A_414, %scan3A_524 : i32
        %mul3A_526 = arith.constant 16 : i32
        %mul3A_527 = arith.muli %scan3A_525, %mul3A_526 : i32
        %get3A_528 = arith.index_cast %mul3A_527 : i32 to index
        %get3A_529 = tpu.vector_load %arg6[%get3A_528] {strides = array<i32>} : memref<4096xi32, #tpu.memory_space<vmem>>, vector<16xi32>,
        %sub3A_530 = arith.constant 0 : i32
        %sub3A_531 = vector.broadcast %sub3A_530 : i32 to vector<16xi32>
        %sub3A_532 = arith.subi %get3A_529, %sub3A_531 : vector<16xi32>
        %lt3A_533 = arith.constant 50048 : i32
        %lt3A_534 = vector.broadcast %lt3A_533 : i32 to vector<16xi32>
        %lt3A_535 = arith.cmpi slt, %get3A_529, %lt3A_534 : vector<16xi32>
        %gather3A_536 = tpu.vector_load_idx %arg8[%sub3A_532] masked %lt3A_535 : memref<50048xf32, #tpu.memory_space<vmem>>[vector<16xi32>], vector<16xf32>, vector<16xi1>
        tpu.vector_store_idx %arg10[%add3A_523], %gather3A_536 masked %lt3A_535 : memref<4096xf32, #tpu.memory_space<vmem>>[vector<16xi32>], vector<16xf32>, vector<16xi1>
        %add3A_537 = arith.constant 16 : i32
        %add3A_538 = vector.broadcast %add3A_537 : i32 to vector<16xi32>
        %add3A_539 = arith.addi %add3A_523, %add3A_538 : vector<16xi32>
        scf.yield %add3A_539 : vector<16xi32>
      }
      %scan3A_116 = arith.constant 256 : i32
      %dma_start3A_117 = arith.constant 0 : i32
      %dma_start3A_118 = tpu.memref_slice %arg3[%rem3A_82, %add3A_104, %dma_start3A_117] : memref<26x64x100000xf32, #tpu.memory_space<hbm>> -> memref<1x1x50048xf32, #tpu.memory_space<hbm>>
      %dma_start3A_119 = tpu.memref_squeeze %dma_start3A_118 : memref<1x1x50048xf32, #tpu.memory_space<hbm>> -> memref<50048xf32, #tpu.memory_space<hbm>>
      %dma_start3A_120 = arith.constant 0 : i32
      %dma_start3A_121 = tpu.memref_slice %arg3[%rem3A_82, %add3A_104, %dma_start3A_120] : memref<26x64x100000xf32, #tpu.memory_space<hbm>> -> memref<1x1x50048xf32, #tpu.memory_space<hbm>>
      %dma_start3A_122 = tpu.memref_squeeze %dma_start3A_121 : memref<1x1x50048xf32, #tpu.memory_space<hbm>> -> memref<50048xf32, #tpu.memory_space<hbm>>
      tpu.enqueue_dma source(%dma_start3A_122 : memref<50048xf32, #tpu.memory_space<hbm>>) target(%arg8 : memref<50048xf32, #tpu.memory_space<vmem>>) target_semaphore(%arg12 : memref<!tpu.dma_semaphore, #tpu.memory_space<semaphore_mem>>)
      %dma_wait3A_123 = arith.constant 0 : i32
      %dma_wait3A_124 = tpu.memref_slice %arg9[%dma_wait3A_123] : memref<50048xf32, #tpu.memory_space<vmem>> -> memref<49920xf32, #tpu.memory_space<vmem>>
      %dma_wait3A_125 = arith.constant 50048 : i32
      %dma_wait3A_126 = tpu.memref_slice %arg3[%rem3A_82, %add3A, %dma_wait3A_125] : memref<26x64x100000xf32, #tpu.memory_space<hbm>> -> memref<1x1x49920xf32, #tpu.memory_space<hbm>>
      %dma_wait3A_127 = tpu.memref_squeeze %dma_wait3A_126 : memref<1x1x49920xf32, #tpu.memory_space<hbm>> -> memref<49920xf32, #tpu.memory_space<hbm>>
      %dma_wait3A_128 = arith.constant 0 : i32
      %dma_wait3A_129 = tpu.memref_slice %arg9[%dma_wait3A_128] : memref<50048xf32, #tpu.memory_space<vmem>> -> memref<49920xf32, #tpu.memory_space<vmem>>
      %dma_wait3A_130 = arith.constant 50048 : i32
      %dma_wait3A_131 = tpu.memref_slice %arg3[%rem3A_82, %add3A, %dma_wait3A_130] : memref<26x64x100000xf32, #tpu.memory_space<hbm>> -> memref<1x1x49920xf32, #tpu.memory_space<hbm>>
      %dma_wait3A_132 = tpu.memref_squeeze %dma_wait3A_131 : memref<1x1x49920xf32, #tpu.memory_space<hbm>> -> memref<49920xf32, #tpu.memory_space<hbm>>
      tpu.wait_dma2 semaphore(%arg13 : memref<!tpu.dma_semaphore, #tpu.memory_space<semaphore_mem>>) src(%dma_wait3A_132 : memref<49920xf32, #tpu.memory_space<hbm>>) dst(%dma_wait3A_129 : memref<49920xf32, #tpu.memory_space<vmem>>)
      %dma_wait3A_133 = arith.constant 49920 : i32
      %dma_wait3A_134 = tpu.memref_slice %arg9[%dma_wait3A_133] : memref<50048xf32, #tpu.memory_space<vmem>> -> memref<128xf32, #tpu.memory_space<vmem>>
      %dma_wait3A_135 = arith.constant 0 : i32
      %dma_wait3A_136 = tpu.memref_slice %arg4[%rem3A_82, %add3A, %dma_wait3A_135] : memref<26x64x128xf32, #tpu.memory_space<hbm>> -> memref<1x1x128xf32, #tpu.memory_space<hbm>>
      %dma_wait3A_137 = tpu.memref_squeeze %dma_wait3A_136 : memref<1x1x128xf32, #tpu.memory_space<hbm>> -> memref<128xf32, #tpu.memory_space<hbm>>
      %dma_wait3A_138 = arith.constant 49920 : i32
      %dma_wait3A_139 = tpu.memref_slice %arg9[%dma_wait3A_138] : memref<50048xf32, #tpu.memory_space<vmem>> -> memref<128xf32, #tpu.memory_space<vmem>>
      %dma_wait3A_140 = arith.constant 0 : i32
      %dma_wait3A_141 = tpu.memref_slice %arg4[%rem3A_82, %add3A, %dma_wait3A_140] : memref<26x64x128xf32, #tpu.memory_space<hbm>> -> memref<1x1x128xf32, #tpu.memory_space<hbm>>
      %dma_wait3A_142 = tpu.memref_squeeze %dma_wait3A_141 : memref<1x1x128xf32, #tpu.memory_space<hbm>> -> memref<128xf32, #tpu.memory_space<hbm>>
      tpu.wait_dma2 semaphore(%arg13 : memref<!tpu.dma_semaphore, #tpu.memory_space<semaphore_mem>>) src(%dma_wait3A_142 : memref<128xf32, #tpu.memory_space<hbm>>) dst(%dma_wait3A_139 : memref<128xf32, #tpu.memory_space<vmem>>)
      %iota3A_143 = tpu.iota {dimensions = array<i32: 0>} : vector<16xi32>
      %scan3A_144 = arith.constant 0 : i32
      %scan3A_145 = arith.constant 256 : i32
      %scan3A_146 = arith.addi %scan3A_144, %scan3A_145 : i32
      %scan3A_147 = arith.constant 8 : i32
      %scan3A_148 = scf.for %scan3A_414 = %scan3A_144 to %scan3A_146 step %scan3A_147 iter_args(%scan3A_415 = %iota3A_143) -> (vector<16xi32>)  : i32 {
        %mul3A_416 = arith.constant 16 : i32
        %mul3A_417 = arith.muli %scan3A_414, %mul3A_416 : i32
        %get3A = arith.index_cast %mul3A_417 : i32 to index
        %get3A_418 = tpu.vector_load %arg6[%get3A] {strides = array<i32>} : memref<4096xi32, #tpu.memory_space<vmem>>, vector<16xi32>,
        %sub3A_419 = arith.constant 50048 : i32
        %sub3A_420 = vector.broadcast %sub3A_419 : i32 to vector<16xi32>
        %sub3A_421 = arith.subi %get3A_418, %sub3A_420 : vector<16xi32>
        %ge3A = arith.constant 50048 : i32
        %ge3A_422 = vector.broadcast %ge3A : i32 to vector<16xi32>
        %ge3A_423 = arith.cmpi sge, %get3A_418, %ge3A_422 : vector<16xi32>
        %gather3A = tpu.vector_load_idx %arg9[%sub3A_421] masked %ge3A_423 : memref<50048xf32, #tpu.memory_space<vmem>>[vector<16xi32>], vector<16xf32>, vector<16xi1>
        tpu.vector_store_idx %arg10[%scan3A_415], %gather3A masked %ge3A_423 : memref<4096xf32, #tpu.memory_space<vmem>>[vector<16xi32>], vector<16xf32>, vector<16xi1>
        %add3A_424 = arith.constant 16 : i32
        %add3A_425 = vector.broadcast %add3A_424 : i32 to vector<16xi32>
        %add3A_426 = arith.addi %scan3A_415, %add3A_425 : vector<16xi32>
        %scan3A_427 = arith.constant 1 : i32
        %scan3A_428 = arith.addi %scan3A_414, %scan3A_427 : i32
        %mul3A_429 = arith.constant 16 : i32
        %mul3A_430 = arith.muli %scan3A_428, %mul3A_429 : i32
        %get3A_431 = arith.index_cast %mul3A_430 : i32 to index
        %get3A_432 = tpu.vector_load %arg6[%get3A_431] {strides = array<i32>} : memref<4096xi32, #tpu.memory_space<vmem>>, vector<16xi32>,
        %sub3A_433 = arith.constant 50048 : i32
        %sub3A_434 = vector.broadcast %sub3A_433 : i32 to vector<16xi32>
        %sub3A_435 = arith.subi %get3A_432, %sub3A_434 : vector<16xi32>
        %ge3A_436 = arith.constant 50048 : i32
        %ge3A_437 = vector.broadcast %ge3A_436 : i32 to vector<16xi32>
        %ge3A_438 = arith.cmpi sge, %get3A_432, %ge3A_437 : vector<16xi32>
        %gather3A_439 = tpu.vector_load_idx %arg9[%sub3A_435] masked %ge3A_438 : memref<50048xf32, #tpu.memory_space<vmem>>[vector<16xi32>], vector<16xf32>, vector<16xi1>
        tpu.vector_store_idx %arg10[%add3A_426], %gather3A_439 masked %ge3A_438 : memref<4096xf32, #tpu.memory_space<vmem>>[vector<16xi32>], vector<16xf32>, vector<16xi1>
        %add3A_440 = arith.constant 16 : i32
        %add3A_441 = vector.broadcast %add3A_440 : i32 to vector<16xi32>
        %add3A_442 = arith.addi %add3A_426, %add3A_441 : vector<16xi32>
        %scan3A_443 = arith.constant 2 : i32
        %scan3A_444 = arith.addi %scan3A_414, %scan3A_443 : i32
        %mul3A_445 = arith.constant 16 : i32
        %mul3A_446 = arith.muli %scan3A_444, %mul3A_445 : i32
        %get3A_447 = arith.index_cast %mul3A_446 : i32 to index
        %get3A_448 = tpu.vector_load %arg6[%get3A_447] {strides = array<i32>} : memref<4096xi32, #tpu.memory_space<vmem>>, vector<16xi32>,
        %sub3A_449 = arith.constant 50048 : i32
        %sub3A_450 = vector.broadcast %sub3A_449 : i32 to vector<16xi32>
        %sub3A_451 = arith.subi %get3A_448, %sub3A_450 : vector<16xi32>
        %ge3A_452 = arith.constant 50048 : i32
        %ge3A_453 = vector.broadcast %ge3A_452 : i32 to vector<16xi32>
        %ge3A_454 = arith.cmpi sge, %get3A_448, %ge3A_453 : vector<16xi32>
        %gather3A_455 = tpu.vector_load_idx %arg9[%sub3A_451] masked %ge3A_454 : memref<50048xf32, #tpu.memory_space<vmem>>[vector<16xi32>], vector<16xf32>, vector<16xi1>
        tpu.vector_store_idx %arg10[%add3A_442], %gather3A_455 masked %ge3A_454 : memref<4096xf32, #tpu.memory_space<vmem>>[vector<16xi32>], vector<16xf32>, vector<16xi1>
        %add3A_456 = arith.constant 16 : i32
        %add3A_457 = vector.broadcast %add3A_456 : i32 to vector<16xi32>
        %add3A_458 = arith.addi %add3A_442, %add3A_457 : vector<16xi32>
        %scan3A_459 = arith.constant 3 : i32
        %scan3A_460 = arith.addi %scan3A_414, %scan3A_459 : i32
        %mul3A_461 = arith.constant 16 : i32
        %mul3A_462 = arith.muli %scan3A_460, %mul3A_461 : i32
        %get3A_463 = arith.index_cast %mul3A_462 : i32 to index
        %get3A_464 = tpu.vector_load %arg6[%get3A_463] {strides = array<i32>} : memref<4096xi32, #tpu.memory_space<vmem>>, vector<16xi32>,
        %sub3A_465 = arith.constant 50048 : i32
        %sub3A_466 = vector.broadcast %sub3A_465 : i32 to vector<16xi32>
        %sub3A_467 = arith.subi %get3A_464, %sub3A_466 : vector<16xi32>
        %ge3A_468 = arith.constant 50048 : i32
        %ge3A_469 = vector.broadcast %ge3A_468 : i32 to vector<16xi32>
        %ge3A_470 = arith.cmpi sge, %get3A_464, %ge3A_469 : vector<16xi32>
        %gather3A_471 = tpu.vector_load_idx %arg9[%sub3A_467] masked %ge3A_470 : memref<50048xf32, #tpu.memory_space<vmem>>[vector<16xi32>], vector<16xf32>, vector<16xi1>
        tpu.vector_store_idx %arg10[%add3A_458], %gather3A_471 masked %ge3A_470 : memref<4096xf32, #tpu.memory_space<vmem>>[vector<16xi32>], vector<16xf32>, vector<16xi1>
        %add3A_472 = arith.constant 16 : i32
        %add3A_473 = vector.broadcast %add3A_472 : i32 to vector<16xi32>
        %add3A_474 = arith.addi %add3A_458, %add3A_473 : vector<16xi32>
        %scan3A_475 = arith.constant 4 : i32
        %scan3A_476 = arith.addi %scan3A_414, %scan3A_475 : i32
        %mul3A_477 = arith.constant 16 : i32
        %mul3A_478 = arith.muli %scan3A_476, %mul3A_477 : i32
        %get3A_479 = arith.index_cast %mul3A_478 : i32 to index
        %get3A_480 = tpu.vector_load %arg6[%get3A_479] {strides = array<i32>} : memref<4096xi32, #tpu.memory_space<vmem>>, vector<16xi32>,
        %sub3A_481 = arith.constant 50048 : i32
        %sub3A_482 = vector.broadcast %sub3A_481 : i32 to vector<16xi32>
        %sub3A_483 = arith.subi %get3A_480, %sub3A_482 : vector<16xi32>
        %ge3A_484 = arith.constant 50048 : i32
        %ge3A_485 = vector.broadcast %ge3A_484 : i32 to vector<16xi32>
        %ge3A_486 = arith.cmpi sge, %get3A_480, %ge3A_485 : vector<16xi32>
        %gather3A_487 = tpu.vector_load_idx %arg9[%sub3A_483] masked %ge3A_486 : memref<50048xf32, #tpu.memory_space<vmem>>[vector<16xi32>], vector<16xf32>, vector<16xi1>
        tpu.vector_store_idx %arg10[%add3A_474], %gather3A_487 masked %ge3A_486 : memref<4096xf32, #tpu.memory_space<vmem>>[vector<16xi32>], vector<16xf32>, vector<16xi1>
        %add3A_488 = arith.constant 16 : i32
        %add3A_489 = vector.broadcast %add3A_488 : i32 to vector<16xi32>
        %add3A_490 = arith.addi %add3A_474, %add3A_489 : vector<16xi32>
        %scan3A_491 = arith.constant 5 : i32
        %scan3A_492 = arith.addi %scan3A_414, %scan3A_491 : i32
        %mul3A_493 = arith.constant 16 : i32
        %mul3A_494 = arith.muli %scan3A_492, %mul3A_493 : i32
        %get3A_495 = arith.index_cast %mul3A_494 : i32 to index
        %get3A_496 = tpu.vector_load %arg6[%get3A_495] {strides = array<i32>} : memref<4096xi32, #tpu.memory_space<vmem>>, vector<16xi32>,
        %sub3A_497 = arith.constant 50048 : i32
        %sub3A_498 = vector.broadcast %sub3A_497 : i32 to vector<16xi32>
        %sub3A_499 = arith.subi %get3A_496, %sub3A_498 : vector<16xi32>
        %ge3A_500 = arith.constant 50048 : i32
        %ge3A_501 = vector.broadcast %ge3A_500 : i32 to vector<16xi32>
        %ge3A_502 = arith.cmpi sge, %get3A_496, %ge3A_501 : vector<16xi32>
        %gather3A_503 = tpu.vector_load_idx %arg9[%sub3A_499] masked %ge3A_502 : memref<50048xf32, #tpu.memory_space<vmem>>[vector<16xi32>], vector<16xf32>, vector<16xi1>
        tpu.vector_store_idx %arg10[%add3A_490], %gather3A_503 masked %ge3A_502 : memref<4096xf32, #tpu.memory_space<vmem>>[vector<16xi32>], vector<16xf32>, vector<16xi1>
        %add3A_504 = arith.constant 16 : i32
        %add3A_505 = vector.broadcast %add3A_504 : i32 to vector<16xi32>
        %add3A_506 = arith.addi %add3A_490, %add3A_505 : vector<16xi32>
        %scan3A_507 = arith.constant 6 : i32
        %scan3A_508 = arith.addi %scan3A_414, %scan3A_507 : i32
        %mul3A_509 = arith.constant 16 : i32
        %mul3A_510 = arith.muli %scan3A_508, %mul3A_509 : i32
        %get3A_511 = arith.index_cast %mul3A_510 : i32 to index
        %get3A_512 = tpu.vector_load %arg6[%get3A_511] {strides = array<i32>} : memref<4096xi32, #tpu.memory_space<vmem>>, vector<16xi32>,
        %sub3A_513 = arith.constant 50048 : i32
        %sub3A_514 = vector.broadcast %sub3A_513 : i32 to vector<16xi32>
        %sub3A_515 = arith.subi %get3A_512, %sub3A_514 : vector<16xi32>
        %ge3A_516 = arith.constant 50048 : i32
        %ge3A_517 = vector.broadcast %ge3A_516 : i32 to vector<16xi32>
        %ge3A_518 = arith.cmpi sge, %get3A_512, %ge3A_517 : vector<16xi32>
        %gather3A_519 = tpu.vector_load_idx %arg9[%sub3A_515] masked %ge3A_518 : memref<50048xf32, #tpu.memory_space<vmem>>[vector<16xi32>], vector<16xf32>, vector<16xi1>
        tpu.vector_store_idx %arg10[%add3A_506], %gather3A_519 masked %ge3A_518 : memref<4096xf32, #tpu.memory_space<vmem>>[vector<16xi32>], vector<16xf32>, vector<16xi1>
        %add3A_520 = arith.constant 16 : i32
        %add3A_521 = vector.broadcast %add3A_520 : i32 to vector<16xi32>
        %add3A_522 = arith.addi %add3A_506, %add3A_521 : vector<16xi32>
        %scan3A_523 = arith.constant 7 : i32
        %scan3A_524 = arith.addi %scan3A_414, %scan3A_523 : i32
        %mul3A_525 = arith.constant 16 : i32
        %mul3A_526 = arith.muli %scan3A_524, %mul3A_525 : i32
        %get3A_527 = arith.index_cast %mul3A_526 : i32 to index
        %get3A_528 = tpu.vector_load %arg6[%get3A_527] {strides = array<i32>} : memref<4096xi32, #tpu.memory_space<vmem>>, vector<16xi32>,
        %sub3A_529 = arith.constant 50048 : i32
        %sub3A_530 = vector.broadcast %sub3A_529 : i32 to vector<16xi32>
        %sub3A_531 = arith.subi %get3A_528, %sub3A_530 : vector<16xi32>
        %ge3A_532 = arith.constant 50048 : i32
        %ge3A_533 = vector.broadcast %ge3A_532 : i32 to vector<16xi32>
        %ge3A_534 = arith.cmpi sge, %get3A_528, %ge3A_533 : vector<16xi32>
        %gather3A_535 = tpu.vector_load_idx %arg9[%sub3A_531] masked %ge3A_534 : memref<50048xf32, #tpu.memory_space<vmem>>[vector<16xi32>], vector<16xf32>, vector<16xi1>
        tpu.vector_store_idx %arg10[%add3A_522], %gather3A_535 masked %ge3A_534 : memref<4096xf32, #tpu.memory_space<vmem>>[vector<16xi32>], vector<16xf32>, vector<16xi1>
        %add3A_536 = arith.constant 16 : i32
        %add3A_537 = vector.broadcast %add3A_536 : i32 to vector<16xi32>
        %add3A_538 = arith.addi %add3A_522, %add3A_537 : vector<16xi32>
        scf.yield %add3A_538 : vector<16xi32>
      }
      %scan3A_149 = arith.constant 256 : i32
      %dma_start3A_150 = arith.constant 0 : i32
      %dma_start3A_151 = tpu.memref_slice %arg9[%dma_start3A_150] : memref<50048xf32, #tpu.memory_space<vmem>> -> memref<49920xf32, #tpu.memory_space<vmem>>
      %dma_start3A_152 = arith.constant 50048 : i32
      %dma_start3A_153 = tpu.memref_slice %arg3[%rem3A_82, %add3A_104, %dma_start3A_152] : memref<26x64x100000xf32, #tpu.memory_space<hbm>> -> memref<1x1x49920xf32, #tpu.memory_space<hbm>>
      %dma_start3A_154 = tpu.memref_squeeze %dma_start3A_153 : memref<1x1x49920xf32, #tpu.memory_space<hbm>> -> memref<49920xf32, #tpu.memory_space<hbm>>
      %dma_start3A_155 = arith.constant 0 : i32
      %dma_start3A_156 = tpu.memref_slice %arg9[%dma_start3A_155] : memref<50048xf32, #tpu.memory_space<vmem>> -> memref<49920xf32, #tpu.memory_space<vmem>>
      %dma_start3A_157 = arith.constant 50048 : i32
      %dma_start3A_158 = tpu.memref_slice %arg3[%rem3A_82, %add3A_104, %dma_start3A_157] : memref<26x64x100000xf32, #tpu.memory_space<hbm>> -> memref<1x1x49920xf32, #tpu.memory_space<hbm>>
      %dma_start3A_159 = tpu.memref_squeeze %dma_start3A_158 : memref<1x1x49920xf32, #tpu.memory_space<hbm>> -> memref<49920xf32, #tpu.memory_space<hbm>>
      tpu.enqueue_dma source(%dma_start3A_159 : memref<49920xf32, #tpu.memory_space<hbm>>) target(%dma_start3A_156 : memref<49920xf32, #tpu.memory_space<vmem>>) target_semaphore(%arg13 : memref<!tpu.dma_semaphore, #tpu.memory_space<semaphore_mem>>)
      %dma_start3A_160 = arith.constant 49920 : i32
      %dma_start3A_161 = tpu.memref_slice %arg9[%dma_start3A_160] : memref<50048xf32, #tpu.memory_space<vmem>> -> memref<128xf32, #tpu.memory_space<vmem>>
      %dma_start3A_162 = arith.constant 0 : i32
      %dma_start3A_163 = tpu.memref_slice %arg4[%rem3A_82, %add3A_104, %dma_start3A_162] : memref<26x64x128xf32, #tpu.memory_space<hbm>> -> memref<1x1x128xf32, #tpu.memory_space<hbm>>
      %dma_start3A_164 = tpu.memref_squeeze %dma_start3A_163 : memref<1x1x128xf32, #tpu.memory_space<hbm>> -> memref<128xf32, #tpu.memory_space<hbm>>
      %dma_start3A_165 = arith.constant 49920 : i32
      %dma_start3A_166 = tpu.memref_slice %arg9[%dma_start3A_165] : memref<50048xf32, #tpu.memory_space<vmem>> -> memref<128xf32, #tpu.memory_space<vmem>>
      %dma_start3A_167 = arith.constant 0 : i32
      %dma_start3A_168 = tpu.memref_slice %arg4[%rem3A_82, %add3A_104, %dma_start3A_167] : memref<26x64x128xf32, #tpu.memory_space<hbm>> -> memref<1x1x128xf32, #tpu.memory_space<hbm>>
      %dma_start3A_169 = tpu.memref_squeeze %dma_start3A_168 : memref<1x1x128xf32, #tpu.memory_space<hbm>> -> memref<128xf32, #tpu.memory_space<hbm>>
      tpu.enqueue_dma source(%dma_start3A_169 : memref<128xf32, #tpu.memory_space<hbm>>) target(%dma_start3A_166 : memref<128xf32, #tpu.memory_space<vmem>>) target_semaphore(%arg13 : memref<!tpu.dma_semaphore, #tpu.memory_space<semaphore_mem>>)
      %dma_start3A_170 = arith.constant 0 : i32
      %dma_start3A_171 = tpu.memref_slice %arg5[%rem3A_82, %add3A, %dma_start3A_170] : memref<26x64x4096xf32, #tpu.memory_space<hbm>> -> memref<1x1x4096xf32, #tpu.memory_space<hbm>>
      %dma_start3A_172 = tpu.memref_squeeze %dma_start3A_171 : memref<1x1x4096xf32, #tpu.memory_space<hbm>> -> memref<4096xf32, #tpu.memory_space<hbm>>
      %dma_start3A_173 = arith.constant 0 : i32
      %dma_start3A_174 = tpu.memref_slice %arg5[%rem3A_82, %add3A, %dma_start3A_173] : memref<26x64x4096xf32, #tpu.memory_space<hbm>> -> memref<1x1x4096xf32, #tpu.memory_space<hbm>>
      %dma_start3A_175 = tpu.memref_squeeze %dma_start3A_174 : memref<1x1x4096xf32, #tpu.memory_space<hbm>> -> memref<4096xf32, #tpu.memory_space<hbm>>
      tpu.enqueue_dma source(%arg10 : memref<4096xf32, #tpu.memory_space<vmem>>) target(%dma_start3A_175 : memref<4096xf32, #tpu.memory_space<hbm>>) target_semaphore(%arg15 : memref<!tpu.dma_semaphore, #tpu.memory_space<semaphore_mem>>)
      %gt3A_176 = arith.constant 0 : i32
      %gt3A_177 = arith.cmpi sgt, %scan3A_76, %gt3A_176 : i32
      %convert_element_type3A_178 = arith.extui %gt3A_177 : i1 to i32
      %cond3A_179 = arith.constant 0 : i32
      %cond3A_180 = arith.cmpi ne, %convert_element_type3A_178, %cond3A_179 : i32
      scf.if %cond3A_180 {
        %dma_wait3A_414 = arith.constant 0 : i32
        %dma_wait3A_415 = arith.constant 0 : i32
        %dma_wait3A_416 = tpu.memref_slice %arg5[%dma_wait3A_414, %add3A, %dma_wait3A_415] : memref<26x64x4096xf32, #tpu.memory_space<hbm>> -> memref<1x1x4096xf32, #tpu.memory_space<hbm>>
        %dma_wait3A_417 = tpu.memref_squeeze %dma_wait3A_416 : memref<1x1x4096xf32, #tpu.memory_space<hbm>> -> memref<4096xf32, #tpu.memory_space<hbm>>
        %dma_wait3A_418 = arith.constant 0 : i32
        %dma_wait3A_419 = tpu.memref_slice %arg5[%dma_wait3A_414, %add3A, %dma_wait3A_418] : memref<26x64x4096xf32, #tpu.memory_space<hbm>> -> memref<1x1x4096xf32, #tpu.memory_space<hbm>>
        %dma_wait3A_420 = tpu.memref_squeeze %dma_wait3A_419 : memref<1x1x4096xf32, #tpu.memory_space<hbm>> -> memref<4096xf32, #tpu.memory_space<hbm>>
        tpu.wait_dma2 semaphore(%arg15 : memref<!tpu.dma_semaphore, #tpu.memory_space<semaphore_mem>>) src(%arg11 : memref<4096xf32, #tpu.memory_space<vmem>>) dst(%dma_wait3A_420 : memref<4096xf32, #tpu.memory_space<hbm>>)
      } else {
      }
      %add3A_181 = arith.constant 32 : i32
      %add3A_182 = arith.addi %add3A_181, %add3A : i32
      %dma_wait3A_183 = arith.constant 0 : i32
      %dma_wait3A_184 = tpu.memref_slice %arg3[%rem3A_82, %add3A_182, %dma_wait3A_183] : memref<26x64x100000xf32, #tpu.memory_space<hbm>> -> memref<1x1x50048xf32, #tpu.memory_space<hbm>>
      %dma_wait3A_185 = tpu.memref_squeeze %dma_wait3A_184 : memref<1x1x50048xf32, #tpu.memory_space<hbm>> -> memref<50048xf32, #tpu.memory_space<hbm>>
      %dma_wait3A_186 = arith.constant 0 : i32
      %dma_wait3A_187 = tpu.memref_slice %arg3[%rem3A_82, %add3A_182, %dma_wait3A_186] : memref<26x64x100000xf32, #tpu.memory_space<hbm>> -> memref<1x1x50048xf32, #tpu.memory_space<hbm>>
      %dma_wait3A_188 = tpu.memref_squeeze %dma_wait3A_187 : memref<1x1x50048xf32, #tpu.memory_space<hbm>> -> memref<50048xf32, #tpu.memory_space<hbm>>
      tpu.wait_dma2 semaphore(%arg12 : memref<!tpu.dma_semaphore, #tpu.memory_space<semaphore_mem>>) src(%dma_wait3A_188 : memref<50048xf32, #tpu.memory_space<hbm>>) dst(%arg8 : memref<50048xf32, #tpu.memory_space<vmem>>)
      %iota3A_189 = tpu.iota {dimensions = array<i32: 0>} : vector<16xi32>
      %scan3A_190 = arith.constant 0 : i32
      %scan3A_191 = arith.constant 256 : i32
      %scan3A_192 = arith.addi %scan3A_190, %scan3A_191 : i32
      %scan3A_193 = arith.constant 8 : i32
      %scan3A_194 = scf.for %scan3A_414 = %scan3A_190 to %scan3A_192 step %scan3A_193 iter_args(%scan3A_415 = %iota3A_189) -> (vector<16xi32>)  : i32 {
        %mul3A_416 = arith.constant 16 : i32
        %mul3A_417 = arith.muli %scan3A_414, %mul3A_416 : i32
        %get3A = arith.index_cast %mul3A_417 : i32 to index
        %get3A_418 = tpu.vector_load %arg6[%get3A] {strides = array<i32>} : memref<4096xi32, #tpu.memory_space<vmem>>, vector<16xi32>,
        %sub3A_419 = arith.constant 0 : i32
        %sub3A_420 = vector.broadcast %sub3A_419 : i32 to vector<16xi32>
        %sub3A_421 = arith.subi %get3A_418, %sub3A_420 : vector<16xi32>
        %lt3A_422 = arith.constant 50048 : i32
        %lt3A_423 = vector.broadcast %lt3A_422 : i32 to vector<16xi32>
        %lt3A_424 = arith.cmpi slt, %get3A_418, %lt3A_423 : vector<16xi32>
        %gather3A = tpu.vector_load_idx %arg8[%sub3A_421] masked %lt3A_424 : memref<50048xf32, #tpu.memory_space<vmem>>[vector<16xi32>], vector<16xf32>, vector<16xi1>
        tpu.vector_store_idx %arg11[%scan3A_415], %gather3A masked %lt3A_424 : memref<4096xf32, #tpu.memory_space<vmem>>[vector<16xi32>], vector<16xf32>, vector<16xi1>
        %add3A_425 = arith.constant 16 : i32
        %add3A_426 = vector.broadcast %add3A_425 : i32 to vector<16xi32>
        %add3A_427 = arith.addi %scan3A_415, %add3A_426 : vector<16xi32>
        %scan3A_428 = arith.constant 1 : i32
        %scan3A_429 = arith.addi %scan3A_414, %scan3A_428 : i32
        %mul3A_430 = arith.constant 16 : i32
        %mul3A_431 = arith.muli %scan3A_429, %mul3A_430 : i32
        %get3A_432 = arith.index_cast %mul3A_431 : i32 to index
        %get3A_433 = tpu.vector_load %arg6[%get3A_432] {strides = array<i32>} : memref<4096xi32, #tpu.memory_space<vmem>>, vector<16xi32>,
        %sub3A_434 = arith.constant 0 : i32
        %sub3A_435 = vector.broadcast %sub3A_434 : i32 to vector<16xi32>
        %sub3A_436 = arith.subi %get3A_433, %sub3A_435 : vector<16xi32>
        %lt3A_437 = arith.constant 50048 : i32
        %lt3A_438 = vector.broadcast %lt3A_437 : i32 to vector<16xi32>
        %lt3A_439 = arith.cmpi slt, %get3A_433, %lt3A_438 : vector<16xi32>
        %gather3A_440 = tpu.vector_load_idx %arg8[%sub3A_436] masked %lt3A_439 : memref<50048xf32, #tpu.memory_space<vmem>>[vector<16xi32>], vector<16xf32>, vector<16xi1>
        tpu.vector_store_idx %arg11[%add3A_427], %gather3A_440 masked %lt3A_439 : memref<4096xf32, #tpu.memory_space<vmem>>[vector<16xi32>], vector<16xf32>, vector<16xi1>
        %add3A_441 = arith.constant 16 : i32
        %add3A_442 = vector.broadcast %add3A_441 : i32 to vector<16xi32>
        %add3A_443 = arith.addi %add3A_427, %add3A_442 : vector<16xi32>
        %scan3A_444 = arith.constant 2 : i32
        %scan3A_445 = arith.addi %scan3A_414, %scan3A_444 : i32
        %mul3A_446 = arith.constant 16 : i32
        %mul3A_447 = arith.muli %scan3A_445, %mul3A_446 : i32
        %get3A_448 = arith.index_cast %mul3A_447 : i32 to index
        %get3A_449 = tpu.vector_load %arg6[%get3A_448] {strides = array<i32>} : memref<4096xi32, #tpu.memory_space<vmem>>, vector<16xi32>,
        %sub3A_450 = arith.constant 0 : i32
        %sub3A_451 = vector.broadcast %sub3A_450 : i32 to vector<16xi32>
        %sub3A_452 = arith.subi %get3A_449, %sub3A_451 : vector<16xi32>
        %lt3A_453 = arith.constant 50048 : i32
        %lt3A_454 = vector.broadcast %lt3A_453 : i32 to vector<16xi32>
        %lt3A_455 = arith.cmpi slt, %get3A_449, %lt3A_454 : vector<16xi32>
        %gather3A_456 = tpu.vector_load_idx %arg8[%sub3A_452] masked %lt3A_455 : memref<50048xf32, #tpu.memory_space<vmem>>[vector<16xi32>], vector<16xf32>, vector<16xi1>
        tpu.vector_store_idx %arg11[%add3A_443], %gather3A_456 masked %lt3A_455 : memref<4096xf32, #tpu.memory_space<vmem>>[vector<16xi32>], vector<16xf32>, vector<16xi1>
        %add3A_457 = arith.constant 16 : i32
        %add3A_458 = vector.broadcast %add3A_457 : i32 to vector<16xi32>
        %add3A_459 = arith.addi %add3A_443, %add3A_458 : vector<16xi32>
        %scan3A_460 = arith.constant 3 : i32
        %scan3A_461 = arith.addi %scan3A_414, %scan3A_460 : i32
        %mul3A_462 = arith.constant 16 : i32
        %mul3A_463 = arith.muli %scan3A_461, %mul3A_462 : i32
        %get3A_464 = arith.index_cast %mul3A_463 : i32 to index
        %get3A_465 = tpu.vector_load %arg6[%get3A_464] {strides = array<i32>} : memref<4096xi32, #tpu.memory_space<vmem>>, vector<16xi32>,
        %sub3A_466 = arith.constant 0 : i32
        %sub3A_467 = vector.broadcast %sub3A_466 : i32 to vector<16xi32>
        %sub3A_468 = arith.subi %get3A_465, %sub3A_467 : vector<16xi32>
        %lt3A_469 = arith.constant 50048 : i32
        %lt3A_470 = vector.broadcast %lt3A_469 : i32 to vector<16xi32>
        %lt3A_471 = arith.cmpi slt, %get3A_465, %lt3A_470 : vector<16xi32>
        %gather3A_472 = tpu.vector_load_idx %arg8[%sub3A_468] masked %lt3A_471 : memref<50048xf32, #tpu.memory_space<vmem>>[vector<16xi32>], vector<16xf32>, vector<16xi1>
        tpu.vector_store_idx %arg11[%add3A_459], %gather3A_472 masked %lt3A_471 : memref<4096xf32, #tpu.memory_space<vmem>>[vector<16xi32>], vector<16xf32>, vector<16xi1>
        %add3A_473 = arith.constant 16 : i32
        %add3A_474 = vector.broadcast %add3A_473 : i32 to vector<16xi32>
        %add3A_475 = arith.addi %add3A_459, %add3A_474 : vector<16xi32>
        %scan3A_476 = arith.constant 4 : i32
        %scan3A_477 = arith.addi %scan3A_414, %scan3A_476 : i32
        %mul3A_478 = arith.constant 16 : i32
        %mul3A_479 = arith.muli %scan3A_477, %mul3A_478 : i32
        %get3A_480 = arith.index_cast %mul3A_479 : i32 to index
        %get3A_481 = tpu.vector_load %arg6[%get3A_480] {strides = array<i32>} : memref<4096xi32, #tpu.memory_space<vmem>>, vector<16xi32>,
        %sub3A_482 = arith.constant 0 : i32
        %sub3A_483 = vector.broadcast %sub3A_482 : i32 to vector<16xi32>
        %sub3A_484 = arith.subi %get3A_481, %sub3A_483 : vector<16xi32>
        %lt3A_485 = arith.constant 50048 : i32
        %lt3A_486 = vector.broadcast %lt3A_485 : i32 to vector<16xi32>
        %lt3A_487 = arith.cmpi slt, %get3A_481, %lt3A_486 : vector<16xi32>
        %gather3A_488 = tpu.vector_load_idx %arg8[%sub3A_484] masked %lt3A_487 : memref<50048xf32, #tpu.memory_space<vmem>>[vector<16xi32>], vector<16xf32>, vector<16xi1>
        tpu.vector_store_idx %arg11[%add3A_475], %gather3A_488 masked %lt3A_487 : memref<4096xf32, #tpu.memory_space<vmem>>[vector<16xi32>], vector<16xf32>, vector<16xi1>
        %add3A_489 = arith.constant 16 : i32
        %add3A_490 = vector.broadcast %add3A_489 : i32 to vector<16xi32>
        %add3A_491 = arith.addi %add3A_475, %add3A_490 : vector<16xi32>
        %scan3A_492 = arith.constant 5 : i32
        %scan3A_493 = arith.addi %scan3A_414, %scan3A_492 : i32
        %mul3A_494 = arith.constant 16 : i32
        %mul3A_495 = arith.muli %scan3A_493, %mul3A_494 : i32
        %get3A_496 = arith.index_cast %mul3A_495 : i32 to index
        %get3A_497 = tpu.vector_load %arg6[%get3A_496] {strides = array<i32>} : memref<4096xi32, #tpu.memory_space<vmem>>, vector<16xi32>,
        %sub3A_498 = arith.constant 0 : i32
        %sub3A_499 = vector.broadcast %sub3A_498 : i32 to vector<16xi32>
        %sub3A_500 = arith.subi %get3A_497, %sub3A_499 : vector<16xi32>
        %lt3A_501 = arith.constant 50048 : i32
        %lt3A_502 = vector.broadcast %lt3A_501 : i32 to vector<16xi32>
        %lt3A_503 = arith.cmpi slt, %get3A_497, %lt3A_502 : vector<16xi32>
        %gather3A_504 = tpu.vector_load_idx %arg8[%sub3A_500] masked %lt3A_503 : memref<50048xf32, #tpu.memory_space<vmem>>[vector<16xi32>], vector<16xf32>, vector<16xi1>
        tpu.vector_store_idx %arg11[%add3A_491], %gather3A_504 masked %lt3A_503 : memref<4096xf32, #tpu.memory_space<vmem>>[vector<16xi32>], vector<16xf32>, vector<16xi1>
        %add3A_505 = arith.constant 16 : i32
        %add3A_506 = vector.broadcast %add3A_505 : i32 to vector<16xi32>
        %add3A_507 = arith.addi %add3A_491, %add3A_506 : vector<16xi32>
        %scan3A_508 = arith.constant 6 : i32
        %scan3A_509 = arith.addi %scan3A_414, %scan3A_508 : i32
        %mul3A_510 = arith.constant 16 : i32
        %mul3A_511 = arith.muli %scan3A_509, %mul3A_510 : i32
        %get3A_512 = arith.index_cast %mul3A_511 : i32 to index
        %get3A_513 = tpu.vector_load %arg6[%get3A_512] {strides = array<i32>} : memref<4096xi32, #tpu.memory_space<vmem>>, vector<16xi32>,
        %sub3A_514 = arith.constant 0 : i32
        %sub3A_515 = vector.broadcast %sub3A_514 : i32 to vector<16xi32>
        %sub3A_516 = arith.subi %get3A_513, %sub3A_515 : vector<16xi32>
        %lt3A_517 = arith.constant 50048 : i32
        %lt3A_518 = vector.broadcast %lt3A_517 : i32 to vector<16xi32>
        %lt3A_519 = arith.cmpi slt, %get3A_513, %lt3A_518 : vector<16xi32>
        %gather3A_520 = tpu.vector_load_idx %arg8[%sub3A_516] masked %lt3A_519 : memref<50048xf32, #tpu.memory_space<vmem>>[vector<16xi32>], vector<16xf32>, vector<16xi1>
        tpu.vector_store_idx %arg11[%add3A_507], %gather3A_520 masked %lt3A_519 : memref<4096xf32, #tpu.memory_space<vmem>>[vector<16xi32>], vector<16xf32>, vector<16xi1>
        %add3A_521 = arith.constant 16 : i32
        %add3A_522 = vector.broadcast %add3A_521 : i32 to vector<16xi32>
        %add3A_523 = arith.addi %add3A_507, %add3A_522 : vector<16xi32>
        %scan3A_524 = arith.constant 7 : i32
        %scan3A_525 = arith.addi %scan3A_414, %scan3A_524 : i32
        %mul3A_526 = arith.constant 16 : i32
        %mul3A_527 = arith.muli %scan3A_525, %mul3A_526 : i32
        %get3A_528 = arith.index_cast %mul3A_527 : i32 to index
        %get3A_529 = tpu.vector_load %arg6[%get3A_528] {strides = array<i32>} : memref<4096xi32, #tpu.memory_space<vmem>>, vector<16xi32>,
        %sub3A_530 = arith.constant 0 : i32
        %sub3A_531 = vector.broadcast %sub3A_530 : i32 to vector<16xi32>
        %sub3A_532 = arith.subi %get3A_529, %sub3A_531 : vector<16xi32>
        %lt3A_533 = arith.constant 50048 : i32
        %lt3A_534 = vector.broadcast %lt3A_533 : i32 to vector<16xi32>
        %lt3A_535 = arith.cmpi slt, %get3A_529, %lt3A_534 : vector<16xi32>
        %gather3A_536 = tpu.vector_load_idx %arg8[%sub3A_532] masked %lt3A_535 : memref<50048xf32, #tpu.memory_space<vmem>>[vector<16xi32>], vector<16xf32>, vector<16xi1>
        tpu.vector_store_idx %arg11[%add3A_523], %gather3A_536 masked %lt3A_535 : memref<4096xf32, #tpu.memory_space<vmem>>[vector<16xi32>], vector<16xf32>, vector<16xi1>
        %add3A_537 = arith.constant 16 : i32
        %add3A_538 = vector.broadcast %add3A_537 : i32 to vector<16xi32>
        %add3A_539 = arith.addi %add3A_523, %add3A_538 : vector<16xi32>
        scf.yield %add3A_539 : vector<16xi32>
      }
      %scan3A_195 = arith.constant 256 : i32
      %dma_start3A_196 = arith.constant 0 : i32
      %dma_start3A_197 = tpu.memref_slice %arg3[%add3A_84, %add3A, %dma_start3A_196] : memref<26x64x100000xf32, #tpu.memory_space<hbm>> -> memref<1x1x50048xf32, #tpu.memory_space<hbm>>
      %dma_start3A_198 = tpu.memref_squeeze %dma_start3A_197 : memref<1x1x50048xf32, #tpu.memory_space<hbm>> -> memref<50048xf32, #tpu.memory_space<hbm>>
      %dma_start3A_199 = arith.constant 0 : i32
      %dma_start3A_200 = tpu.memref_slice %arg3[%add3A_84, %add3A, %dma_start3A_199] : memref<26x64x100000xf32, #tpu.memory_space<hbm>> -> memref<1x1x50048xf32, #tpu.memory_space<hbm>>
      %dma_start3A_201 = tpu.memref_squeeze %dma_start3A_200 : memref<1x1x50048xf32, #tpu.memory_space<hbm>> -> memref<50048xf32, #tpu.memory_space<hbm>>
      tpu.enqueue_dma source(%dma_start3A_201 : memref<50048xf32, #tpu.memory_space<hbm>>) target(%arg8 : memref<50048xf32, #tpu.memory_space<vmem>>) target_semaphore(%arg12 : memref<!tpu.dma_semaphore, #tpu.memory_space<semaphore_mem>>)
      %dma_wait3A_202 = arith.constant 0 : i32
      %dma_wait3A_203 = tpu.memref_slice %arg9[%dma_wait3A_202] : memref<50048xf32, #tpu.memory_space<vmem>> -> memref<49920xf32, #tpu.memory_space<vmem>>
      %dma_wait3A_204 = arith.constant 50048 : i32
      %dma_wait3A_205 = tpu.memref_slice %arg3[%rem3A_82, %add3A_182, %dma_wait3A_204] : memref<26x64x100000xf32, #tpu.memory_space<hbm>> -> memref<1x1x49920xf32, #tpu.memory_space<hbm>>
      %dma_wait3A_206 = tpu.memref_squeeze %dma_wait3A_205 : memref<1x1x49920xf32, #tpu.memory_space<hbm>> -> memref<49920xf32, #tpu.memory_space<hbm>>
      %dma_wait3A_207 = arith.constant 0 : i32
      %dma_wait3A_208 = tpu.memref_slice %arg9[%dma_wait3A_207] : memref<50048xf32, #tpu.memory_space<vmem>> -> memref<49920xf32, #tpu.memory_space<vmem>>
      %dma_wait3A_209 = arith.constant 50048 : i32
      %dma_wait3A_210 = tpu.memref_slice %arg3[%rem3A_82, %add3A_182, %dma_wait3A_209] : memref<26x64x100000xf32, #tpu.memory_space<hbm>> -> memref<1x1x49920xf32, #tpu.memory_space<hbm>>
      %dma_wait3A_211 = tpu.memref_squeeze %dma_wait3A_210 : memref<1x1x49920xf32, #tpu.memory_space<hbm>> -> memref<49920xf32, #tpu.memory_space<hbm>>
      tpu.wait_dma2 semaphore(%arg13 : memref<!tpu.dma_semaphore, #tpu.memory_space<semaphore_mem>>) src(%dma_wait3A_211 : memref<49920xf32, #tpu.memory_space<hbm>>) dst(%dma_wait3A_208 : memref<49920xf32, #tpu.memory_space<vmem>>)
      %dma_wait3A_212 = arith.constant 49920 : i32
      %dma_wait3A_213 = tpu.memref_slice %arg9[%dma_wait3A_212] : memref<50048xf32, #tpu.memory_space<vmem>> -> memref<128xf32, #tpu.memory_space<vmem>>
      %dma_wait3A_214 = arith.constant 0 : i32
      %dma_wait3A_215 = tpu.memref_slice %arg4[%rem3A_82, %add3A_182, %dma_wait3A_214] : memref<26x64x128xf32, #tpu.memory_space<hbm>> -> memref<1x1x128xf32, #tpu.memory_space<hbm>>
      %dma_wait3A_216 = tpu.memref_squeeze %dma_wait3A_215 : memref<1x1x128xf32, #tpu.memory_space<hbm>> -> memref<128xf32, #tpu.memory_space<hbm>>
      %dma_wait3A_217 = arith.constant 49920 : i32
      %dma_wait3A_218 = tpu.memref_slice %arg9[%dma_wait3A_217] : memref<50048xf32, #tpu.memory_space<vmem>> -> memref<128xf32, #tpu.memory_space<vmem>>
      %dma_wait3A_219 = arith.constant 0 : i32
      %dma_wait3A_220 = tpu.memref_slice %arg4[%rem3A_82, %add3A_182, %dma_wait3A_219] : memref<26x64x128xf32, #tpu.memory_space<hbm>> -> memref<1x1x128xf32, #tpu.memory_space<hbm>>
      %dma_wait3A_221 = tpu.memref_squeeze %dma_wait3A_220 : memref<1x1x128xf32, #tpu.memory_space<hbm>> -> memref<128xf32, #tpu.memory_space<hbm>>
      tpu.wait_dma2 semaphore(%arg13 : memref<!tpu.dma_semaphore, #tpu.memory_space<semaphore_mem>>) src(%dma_wait3A_221 : memref<128xf32, #tpu.memory_space<hbm>>) dst(%dma_wait3A_218 : memref<128xf32, #tpu.memory_space<vmem>>)
      %iota3A_222 = tpu.iota {dimensions = array<i32: 0>} : vector<16xi32>
      %scan3A_223 = arith.constant 0 : i32
      %scan3A_224 = arith.constant 256 : i32
      %scan3A_225 = arith.addi %scan3A_223, %scan3A_224 : i32
      %scan3A_226 = arith.constant 8 : i32
      %scan3A_227 = scf.for %scan3A_414 = %scan3A_223 to %scan3A_225 step %scan3A_226 iter_args(%scan3A_415 = %iota3A_222) -> (vector<16xi32>)  : i32 {
        %mul3A_416 = arith.constant 16 : i32
        %mul3A_417 = arith.muli %scan3A_414, %mul3A_416 : i32
        %get3A = arith.index_cast %mul3A_417 : i32 to index
        %get3A_418 = tpu.vector_load %arg6[%get3A] {strides = array<i32>} : memref<4096xi32, #tpu.memory_space<vmem>>, vector<16xi32>,
        %sub3A_419 = arith.constant 50048 : i32
        %sub3A_420 = vector.broadcast %sub3A_419 : i32 to vector<16xi32>
        %sub3A_421 = arith.subi %get3A_418, %sub3A_420 : vector<16xi32>
        %ge3A = arith.constant 50048 : i32
        %ge3A_422 = vector.broadcast %ge3A : i32 to vector<16xi32>
        %ge3A_423 = arith.cmpi sge, %get3A_418, %ge3A_422 : vector<16xi32>
        %gather3A = tpu.vector_load_idx %arg9[%sub3A_421] masked %ge3A_423 : memref<50048xf32, #tpu.memory_space<vmem>>[vector<16xi32>], vector<16xf32>, vector<16xi1>
        tpu.vector_store_idx %arg11[%scan3A_415], %gather3A masked %ge3A_423 : memref<4096xf32, #tpu.memory_space<vmem>>[vector<16xi32>], vector<16xf32>, vector<16xi1>
        %add3A_424 = arith.constant 16 : i32
        %add3A_425 = vector.broadcast %add3A_424 : i32 to vector<16xi32>
        %add3A_426 = arith.addi %scan3A_415, %add3A_425 : vector<16xi32>
        %scan3A_427 = arith.constant 1 : i32
        %scan3A_428 = arith.addi %scan3A_414, %scan3A_427 : i32
        %mul3A_429 = arith.constant 16 : i32
        %mul3A_430 = arith.muli %scan3A_428, %mul3A_429 : i32
        %get3A_431 = arith.index_cast %mul3A_430 : i32 to index
        %get3A_432 = tpu.vector_load %arg6[%get3A_431] {strides = array<i32>} : memref<4096xi32, #tpu.memory_space<vmem>>, vector<16xi32>,
        %sub3A_433 = arith.constant 50048 : i32
        %sub3A_434 = vector.broadcast %sub3A_433 : i32 to vector<16xi32>
        %sub3A_435 = arith.subi %get3A_432, %sub3A_434 : vector<16xi32>
        %ge3A_436 = arith.constant 50048 : i32
        %ge3A_437 = vector.broadcast %ge3A_436 : i32 to vector<16xi32>
        %ge3A_438 = arith.cmpi sge, %get3A_432, %ge3A_437 : vector<16xi32>
        %gather3A_439 = tpu.vector_load_idx %arg9[%sub3A_435] masked %ge3A_438 : memref<50048xf32, #tpu.memory_space<vmem>>[vector<16xi32>], vector<16xf32>, vector<16xi1>
        tpu.vector_store_idx %arg11[%add3A_426], %gather3A_439 masked %ge3A_438 : memref<4096xf32, #tpu.memory_space<vmem>>[vector<16xi32>], vector<16xf32>, vector<16xi1>
        %add3A_440 = arith.constant 16 : i32
        %add3A_441 = vector.broadcast %add3A_440 : i32 to vector<16xi32>
        %add3A_442 = arith.addi %add3A_426, %add3A_441 : vector<16xi32>
        %scan3A_443 = arith.constant 2 : i32
        %scan3A_444 = arith.addi %scan3A_414, %scan3A_443 : i32
        %mul3A_445 = arith.constant 16 : i32
        %mul3A_446 = arith.muli %scan3A_444, %mul3A_445 : i32
        %get3A_447 = arith.index_cast %mul3A_446 : i32 to index
        %get3A_448 = tpu.vector_load %arg6[%get3A_447] {strides = array<i32>} : memref<4096xi32, #tpu.memory_space<vmem>>, vector<16xi32>,
        %sub3A_449 = arith.constant 50048 : i32
        %sub3A_450 = vector.broadcast %sub3A_449 : i32 to vector<16xi32>
        %sub3A_451 = arith.subi %get3A_448, %sub3A_450 : vector<16xi32>
        %ge3A_452 = arith.constant 50048 : i32
        %ge3A_453 = vector.broadcast %ge3A_452 : i32 to vector<16xi32>
        %ge3A_454 = arith.cmpi sge, %get3A_448, %ge3A_453 : vector<16xi32>
        %gather3A_455 = tpu.vector_load_idx %arg9[%sub3A_451] masked %ge3A_454 : memref<50048xf32, #tpu.memory_space<vmem>>[vector<16xi32>], vector<16xf32>, vector<16xi1>
        tpu.vector_store_idx %arg11[%add3A_442], %gather3A_455 masked %ge3A_454 : memref<4096xf32, #tpu.memory_space<vmem>>[vector<16xi32>], vector<16xf32>, vector<16xi1>
        %add3A_456 = arith.constant 16 : i32
        %add3A_457 = vector.broadcast %add3A_456 : i32 to vector<16xi32>
        %add3A_458 = arith.addi %add3A_442, %add3A_457 : vector<16xi32>
        %scan3A_459 = arith.constant 3 : i32
        %scan3A_460 = arith.addi %scan3A_414, %scan3A_459 : i32
        %mul3A_461 = arith.constant 16 : i32
        %mul3A_462 = arith.muli %scan3A_460, %mul3A_461 : i32
        %get3A_463 = arith.index_cast %mul3A_462 : i32 to index
        %get3A_464 = tpu.vector_load %arg6[%get3A_463] {strides = array<i32>} : memref<4096xi32, #tpu.memory_space<vmem>>, vector<16xi32>,
        %sub3A_465 = arith.constant 50048 : i32
        %sub3A_466 = vector.broadcast %sub3A_465 : i32 to vector<16xi32>
        %sub3A_467 = arith.subi %get3A_464, %sub3A_466 : vector<16xi32>
        %ge3A_468 = arith.constant 50048 : i32
        %ge3A_469 = vector.broadcast %ge3A_468 : i32 to vector<16xi32>
        %ge3A_470 = arith.cmpi sge, %get3A_464, %ge3A_469 : vector<16xi32>
        %gather3A_471 = tpu.vector_load_idx %arg9[%sub3A_467] masked %ge3A_470 : memref<50048xf32, #tpu.memory_space<vmem>>[vector<16xi32>], vector<16xf32>, vector<16xi1>
        tpu.vector_store_idx %arg11[%add3A_458], %gather3A_471 masked %ge3A_470 : memref<4096xf32, #tpu.memory_space<vmem>>[vector<16xi32>], vector<16xf32>, vector<16xi1>
        %add3A_472 = arith.constant 16 : i32
        %add3A_473 = vector.broadcast %add3A_472 : i32 to vector<16xi32>
        %add3A_474 = arith.addi %add3A_458, %add3A_473 : vector<16xi32>
        %scan3A_475 = arith.constant 4 : i32
        %scan3A_476 = arith.addi %scan3A_414, %scan3A_475 : i32
        %mul3A_477 = arith.constant 16 : i32
        %mul3A_478 = arith.muli %scan3A_476, %mul3A_477 : i32
        %get3A_479 = arith.index_cast %mul3A_478 : i32 to index
        %get3A_480 = tpu.vector_load %arg6[%get3A_479] {strides = array<i32>} : memref<4096xi32, #tpu.memory_space<vmem>>, vector<16xi32>,
        %sub3A_481 = arith.constant 50048 : i32
        %sub3A_482 = vector.broadcast %sub3A_481 : i32 to vector<16xi32>
        %sub3A_483 = arith.subi %get3A_480, %sub3A_482 : vector<16xi32>
        %ge3A_484 = arith.constant 50048 : i32
        %ge3A_485 = vector.broadcast %ge3A_484 : i32 to vector<16xi32>
        %ge3A_486 = arith.cmpi sge, %get3A_480, %ge3A_485 : vector<16xi32>
        %gather3A_487 = tpu.vector_load_idx %arg9[%sub3A_483] masked %ge3A_486 : memref<50048xf32, #tpu.memory_space<vmem>>[vector<16xi32>], vector<16xf32>, vector<16xi1>
        tpu.vector_store_idx %arg11[%add3A_474], %gather3A_487 masked %ge3A_486 : memref<4096xf32, #tpu.memory_space<vmem>>[vector<16xi32>], vector<16xf32>, vector<16xi1>
        %add3A_488 = arith.constant 16 : i32
        %add3A_489 = vector.broadcast %add3A_488 : i32 to vector<16xi32>
        %add3A_490 = arith.addi %add3A_474, %add3A_489 : vector<16xi32>
        %scan3A_491 = arith.constant 5 : i32
        %scan3A_492 = arith.addi %scan3A_414, %scan3A_491 : i32
        %mul3A_493 = arith.constant 16 : i32
        %mul3A_494 = arith.muli %scan3A_492, %mul3A_493 : i32
        %get3A_495 = arith.index_cast %mul3A_494 : i32 to index
        %get3A_496 = tpu.vector_load %arg6[%get3A_495] {strides = array<i32>} : memref<4096xi32, #tpu.memory_space<vmem>>, vector<16xi32>,
        %sub3A_497 = arith.constant 50048 : i32
        %sub3A_498 = vector.broadcast %sub3A_497 : i32 to vector<16xi32>
        %sub3A_499 = arith.subi %get3A_496, %sub3A_498 : vector<16xi32>
        %ge3A_500 = arith.constant 50048 : i32
        %ge3A_501 = vector.broadcast %ge3A_500 : i32 to vector<16xi32>
        %ge3A_502 = arith.cmpi sge, %get3A_496, %ge3A_501 : vector<16xi32>
        %gather3A_503 = tpu.vector_load_idx %arg9[%sub3A_499] masked %ge3A_502 : memref<50048xf32, #tpu.memory_space<vmem>>[vector<16xi32>], vector<16xf32>, vector<16xi1>
        tpu.vector_store_idx %arg11[%add3A_490], %gather3A_503 masked %ge3A_502 : memref<4096xf32, #tpu.memory_space<vmem>>[vector<16xi32>], vector<16xf32>, vector<16xi1>
        %add3A_504 = arith.constant 16 : i32
        %add3A_505 = vector.broadcast %add3A_504 : i32 to vector<16xi32>
        %add3A_506 = arith.addi %add3A_490, %add3A_505 : vector<16xi32>
        %scan3A_507 = arith.constant 6 : i32
        %scan3A_508 = arith.addi %scan3A_414, %scan3A_507 : i32
        %mul3A_509 = arith.constant 16 : i32
        %mul3A_510 = arith.muli %scan3A_508, %mul3A_509 : i32
        %get3A_511 = arith.index_cast %mul3A_510 : i32 to index
        %get3A_512 = tpu.vector_load %arg6[%get3A_511] {strides = array<i32>} : memref<4096xi32, #tpu.memory_space<vmem>>, vector<16xi32>,
        %sub3A_513 = arith.constant 50048 : i32
        %sub3A_514 = vector.broadcast %sub3A_513 : i32 to vector<16xi32>
        %sub3A_515 = arith.subi %get3A_512, %sub3A_514 : vector<16xi32>
        %ge3A_516 = arith.constant 50048 : i32
        %ge3A_517 = vector.broadcast %ge3A_516 : i32 to vector<16xi32>
        %ge3A_518 = arith.cmpi sge, %get3A_512, %ge3A_517 : vector<16xi32>
        %gather3A_519 = tpu.vector_load_idx %arg9[%sub3A_515] masked %ge3A_518 : memref<50048xf32, #tpu.memory_space<vmem>>[vector<16xi32>], vector<16xf32>, vector<16xi1>
        tpu.vector_store_idx %arg11[%add3A_506], %gather3A_519 masked %ge3A_518 : memref<4096xf32, #tpu.memory_space<vmem>>[vector<16xi32>], vector<16xf32>, vector<16xi1>
        %add3A_520 = arith.constant 16 : i32
        %add3A_521 = vector.broadcast %add3A_520 : i32 to vector<16xi32>
        %add3A_522 = arith.addi %add3A_506, %add3A_521 : vector<16xi32>
        %scan3A_523 = arith.constant 7 : i32
        %scan3A_524 = arith.addi %scan3A_414, %scan3A_523 : i32
        %mul3A_525 = arith.constant 16 : i32
        %mul3A_526 = arith.muli %scan3A_524, %mul3A_525 : i32
        %get3A_527 = arith.index_cast %mul3A_526 : i32 to index
        %get3A_528 = tpu.vector_load %arg6[%get3A_527] {strides = array<i32>} : memref<4096xi32, #tpu.memory_space<vmem>>, vector<16xi32>,
        %sub3A_529 = arith.constant 50048 : i32
        %sub3A_530 = vector.broadcast %sub3A_529 : i32 to vector<16xi32>
        %sub3A_531 = arith.subi %get3A_528, %sub3A_530 : vector<16xi32>
        %ge3A_532 = arith.constant 50048 : i32
        %ge3A_533 = vector.broadcast %ge3A_532 : i32 to vector<16xi32>
        %ge3A_534 = arith.cmpi sge, %get3A_528, %ge3A_533 : vector<16xi32>
        %gather3A_535 = tpu.vector_load_idx %arg9[%sub3A_531] masked %ge3A_534 : memref<50048xf32, #tpu.memory_space<vmem>>[vector<16xi32>], vector<16xf32>, vector<16xi1>
        tpu.vector_store_idx %arg11[%add3A_522], %gather3A_535 masked %ge3A_534 : memref<4096xf32, #tpu.memory_space<vmem>>[vector<16xi32>], vector<16xf32>, vector<16xi1>
        %add3A_536 = arith.constant 16 : i32
        %add3A_537 = vector.broadcast %add3A_536 : i32 to vector<16xi32>
        %add3A_538 = arith.addi %add3A_522, %add3A_537 : vector<16xi32>
        scf.yield %add3A_538 : vector<16xi32>
      }
      %scan3A_228 = arith.constant 256 : i32
      %dma_start3A_229 = arith.constant 0 : i32
      %dma_start3A_230 = tpu.memref_slice %arg9[%dma_start3A_229] : memref<50048xf32, #tpu.memory_space<vmem>> -> memref<49920xf32, #tpu.memory_space<vmem>>
      %dma_start3A_231 = arith.constant 50048 : i32
      %dma_start3A_232 = tpu.memref_slice %arg3[%add3A_84, %add3A, %dma_start3A_231] : memref<26x64x100000xf32, #tpu.memory_space<hbm>> -> memref<1x1x49920xf32, #tpu.memory_space<hbm>>
      %dma_start3A_233 = tpu.memref_squeeze %dma_start3A_232 : memref<1x1x49920xf32, #tpu.memory_space<hbm>> -> memref<49920xf32, #tpu.memory_space<hbm>>
      %dma_start3A_234 = arith.constant 0 : i32
      %dma_start3A_235 = tpu.memref_slice %arg9[%dma_start3A_234] : memref<50048xf32, #tpu.memory_space<vmem>> -> memref<49920xf32, #tpu.memory_space<vmem>>
      %dma_start3A_236 = arith.constant 50048 : i32
      %dma_start3A_237 = tpu.memref_slice %arg3[%add3A_84, %add3A, %dma_start3A_236] : memref<26x64x100000xf32, #tpu.memory_space<hbm>> -> memref<1x1x49920xf32, #tpu.memory_space<hbm>>
      %dma_start3A_238 = tpu.memref_squeeze %dma_start3A_237 : memref<1x1x49920xf32, #tpu.memory_space<hbm>> -> memref<49920xf32, #tpu.memory_space<hbm>>
      tpu.enqueue_dma source(%dma_start3A_238 : memref<49920xf32, #tpu.memory_space<hbm>>) target(%dma_start3A_235 : memref<49920xf32, #tpu.memory_space<vmem>>) target_semaphore(%arg13 : memref<!tpu.dma_semaphore, #tpu.memory_space<semaphore_mem>>)
      %dma_start3A_239 = arith.constant 49920 : i32
      %dma_start3A_240 = tpu.memref_slice %arg9[%dma_start3A_239] : memref<50048xf32, #tpu.memory_space<vmem>> -> memref<128xf32, #tpu.memory_space<vmem>>
      %dma_start3A_241 = arith.constant 0 : i32
      %dma_start3A_242 = tpu.memref_slice %arg4[%add3A_84, %add3A, %dma_start3A_241] : memref<26x64x128xf32, #tpu.memory_space<hbm>> -> memref<1x1x128xf32, #tpu.memory_space<hbm>>
      %dma_start3A_243 = tpu.memref_squeeze %dma_start3A_242 : memref<1x1x128xf32, #tpu.memory_space<hbm>> -> memref<128xf32, #tpu.memory_space<hbm>>
      %dma_start3A_244 = arith.constant 49920 : i32
      %dma_start3A_245 = tpu.memref_slice %arg9[%dma_start3A_244] : memref<50048xf32, #tpu.memory_space<vmem>> -> memref<128xf32, #tpu.memory_space<vmem>>
      %dma_start3A_246 = arith.constant 0 : i32
      %dma_start3A_247 = tpu.memref_slice %arg4[%add3A_84, %add3A, %dma_start3A_246] : memref<26x64x128xf32, #tpu.memory_space<hbm>> -> memref<1x1x128xf32, #tpu.memory_space<hbm>>
      %dma_start3A_248 = tpu.memref_squeeze %dma_start3A_247 : memref<1x1x128xf32, #tpu.memory_space<hbm>> -> memref<128xf32, #tpu.memory_space<hbm>>
      tpu.enqueue_dma source(%dma_start3A_248 : memref<128xf32, #tpu.memory_space<hbm>>) target(%dma_start3A_245 : memref<128xf32, #tpu.memory_space<vmem>>) target_semaphore(%arg13 : memref<!tpu.dma_semaphore, #tpu.memory_space<semaphore_mem>>)
      %dma_start3A_249 = arith.constant 0 : i32
      %dma_start3A_250 = tpu.memref_slice %arg5[%rem3A_82, %add3A_182, %dma_start3A_249] : memref<26x64x4096xf32, #tpu.memory_space<hbm>> -> memref<1x1x4096xf32, #tpu.memory_space<hbm>>
      %dma_start3A_251 = tpu.memref_squeeze %dma_start3A_250 : memref<1x1x4096xf32, #tpu.memory_space<hbm>> -> memref<4096xf32, #tpu.memory_space<hbm>>
      %dma_start3A_252 = arith.constant 0 : i32
      %dma_start3A_253 = tpu.memref_slice %arg5[%rem3A_82, %add3A_182, %dma_start3A_252] : memref<26x64x4096xf32, #tpu.memory_space<hbm>> -> memref<1x1x4096xf32, #tpu.memory_space<hbm>>
      %dma_start3A_254 = tpu.memref_squeeze %dma_start3A_253 : memref<1x1x4096xf32, #tpu.memory_space<hbm>> -> memref<4096xf32, #tpu.memory_space<hbm>>
      tpu.enqueue_dma source(%arg11 : memref<4096xf32, #tpu.memory_space<vmem>>) target(%dma_start3A_254 : memref<4096xf32, #tpu.memory_space<hbm>>) target_semaphore(%arg15 : memref<!tpu.dma_semaphore, #tpu.memory_space<semaphore_mem>>)
      %dma_wait3A_255 = arith.constant 0 : i32
      %dma_wait3A_256 = tpu.memref_slice %arg2[%add3A_84, %dma_wait3A_255] : memref<26x4096xi32, #tpu.memory_space<hbm>> -> memref<1x4096xi32, #tpu.memory_space<hbm>>
      %dma_wait3A_257 = tpu.memref_squeeze %dma_wait3A_256 : memref<1x4096xi32, #tpu.memory_space<hbm>> -> memref<4096xi32, #tpu.memory_space<hbm>>
      %dma_wait3A_258 = arith.constant 0 : i32
      %dma_wait3A_259 = tpu.memref_slice %arg2[%add3A_84, %dma_wait3A_258] : memref<26x4096xi32, #tpu.memory_space<hbm>> -> memref<1x4096xi32, #tpu.memory_space<hbm>>
      %dma_wait3A_260 = tpu.memref_squeeze %dma_wait3A_259 : memref<1x4096xi32, #tpu.memory_space<hbm>> -> memref<4096xi32, #tpu.memory_space<hbm>>
      tpu.wait_dma2 semaphore(%arg14 : memref<!tpu.dma_semaphore, #tpu.memory_space<semaphore_mem>>) src(%dma_wait3A_260 : memref<4096xi32, #tpu.memory_space<hbm>>) dst(%arg7 : memref<4096xi32, #tpu.memory_space<vmem>>)
      %add3A_261 = arith.constant 1 : i32
      %add3A_262 = arith.addi %scan3A_76, %add3A_261 : i32
      %lt3A = arith.constant 13 : i32
      %lt3A_263 = arith.cmpi slt, %add3A_262, %lt3A : i32
      %convert_element_type3A_264 = arith.extui %lt3A_263 : i1 to i32
      %cond3A_265 = arith.constant 0 : i32
      %cond3A_266 = arith.cmpi ne, %convert_element_type3A_264, %cond3A_265 : i32
      scf.if %cond3A_266 {
        %dma_start3A_414 = arith.constant 0 : i32
        %dma_start3A_415 = tpu.memref_slice %arg2[%rem3A_88, %dma_start3A_414] : memref<26x4096xi32, #tpu.memory_space<hbm>> -> memref<1x4096xi32, #tpu.memory_space<hbm>>
        %dma_start3A_416 = tpu.memref_squeeze %dma_start3A_415 : memref<1x4096xi32, #tpu.memory_space<hbm>> -> memref<4096xi32, #tpu.memory_space<hbm>>
        %dma_start3A_417 = arith.constant 0 : i32
        %dma_start3A_418 = tpu.memref_slice %arg2[%rem3A_88, %dma_start3A_417] : memref<26x4096xi32, #tpu.memory_space<hbm>> -> memref<1x4096xi32, #tpu.memory_space<hbm>>
        %dma_start3A_419 = tpu.memref_squeeze %dma_start3A_418 : memref<1x4096xi32, #tpu.memory_space<hbm>> -> memref<4096xi32, #tpu.memory_space<hbm>>
        tpu.enqueue_dma source(%dma_start3A_419 : memref<4096xi32, #tpu.memory_space<hbm>>) target(%arg6 : memref<4096xi32, #tpu.memory_space<vmem>>) target_semaphore(%arg14 : memref<!tpu.dma_semaphore, #tpu.memory_space<semaphore_mem>>)
      } else {
      }
      %dma_wait3A_267 = arith.constant 0 : i32
      %dma_wait3A_268 = arith.constant 0 : i32
      %dma_wait3A_269 = tpu.memref_slice %arg5[%dma_wait3A_267, %add3A, %dma_wait3A_268] : memref<26x64x4096xf32, #tpu.memory_space<hbm>> -> memref<1x1x4096xf32, #tpu.memory_space<hbm>>
      %dma_wait3A_270 = tpu.memref_squeeze %dma_wait3A_269 : memref<1x1x4096xf32, #tpu.memory_space<hbm>> -> memref<4096xf32, #tpu.memory_space<hbm>>
      %dma_wait3A_271 = arith.constant 0 : i32
      %dma_wait3A_272 = tpu.memref_slice %arg5[%dma_wait3A_267, %add3A, %dma_wait3A_271] : memref<26x64x4096xf32, #tpu.memory_space<hbm>> -> memref<1x1x4096xf32, #tpu.memory_space<hbm>>
      %dma_wait3A_273 = tpu.memref_squeeze %dma_wait3A_272 : memref<1x1x4096xf32, #tpu.memory_space<hbm>> -> memref<4096xf32, #tpu.memory_space<hbm>>
      tpu.wait_dma2 semaphore(%arg15 : memref<!tpu.dma_semaphore, #tpu.memory_space<semaphore_mem>>) src(%arg10 : memref<4096xf32, #tpu.memory_space<vmem>>) dst(%dma_wait3A_273 : memref<4096xf32, #tpu.memory_space<hbm>>)
      %add3A_274 = arith.constant 32 : i32
      %add3A_275 = arith.addi %add3A_274, %add3A : i32
      %dma_wait3A_276 = arith.constant 0 : i32
      %dma_wait3A_277 = tpu.memref_slice %arg3[%add3A_84, %add3A, %dma_wait3A_276] : memref<26x64x100000xf32, #tpu.memory_space<hbm>> -> memref<1x1x50048xf32, #tpu.memory_space<hbm>>
      %dma_wait3A_278 = tpu.memref_squeeze %dma_wait3A_277 : memref<1x1x50048xf32, #tpu.memory_space<hbm>> -> memref<50048xf32, #tpu.memory_space<hbm>>
      %dma_wait3A_279 = arith.constant 0 : i32
      %dma_wait3A_280 = tpu.memref_slice %arg3[%add3A_84, %add3A, %dma_wait3A_279] : memref<26x64x100000xf32, #tpu.memory_space<hbm>> -> memref<1x1x50048xf32, #tpu.memory_space<hbm>>
      %dma_wait3A_281 = tpu.memref_squeeze %dma_wait3A_280 : memref<1x1x50048xf32, #tpu.memory_space<hbm>> -> memref<50048xf32, #tpu.memory_space<hbm>>
      tpu.wait_dma2 semaphore(%arg12 : memref<!tpu.dma_semaphore, #tpu.memory_space<semaphore_mem>>) src(%dma_wait3A_281 : memref<50048xf32, #tpu.memory_space<hbm>>) dst(%arg8 : memref<50048xf32, #tpu.memory_space<vmem>>)
      %iota3A_282 = tpu.iota {dimensions = array<i32: 0>} : vector<16xi32>
      %scan3A_283 = arith.constant 0 : i32
      %scan3A_284 = arith.constant 256 : i32
      %scan3A_285 = arith.addi %scan3A_283, %scan3A_284 : i32
      %scan3A_286 = arith.constant 8 : i32
      %scan3A_287 = scf.for %scan3A_414 = %scan3A_283 to %scan3A_285 step %scan3A_286 iter_args(%scan3A_415 = %iota3A_282) -> (vector<16xi32>)  : i32 {
        %mul3A_416 = arith.constant 16 : i32
        %mul3A_417 = arith.muli %scan3A_414, %mul3A_416 : i32
        %get3A = arith.index_cast %mul3A_417 : i32 to index
        %get3A_418 = tpu.vector_load %arg7[%get3A] {strides = array<i32>} : memref<4096xi32, #tpu.memory_space<vmem>>, vector<16xi32>,
        %sub3A_419 = arith.constant 0 : i32
        %sub3A_420 = vector.broadcast %sub3A_419 : i32 to vector<16xi32>
        %sub3A_421 = arith.subi %get3A_418, %sub3A_420 : vector<16xi32>
        %lt3A_422 = arith.constant 50048 : i32
        %lt3A_423 = vector.broadcast %lt3A_422 : i32 to vector<16xi32>
        %lt3A_424 = arith.cmpi slt, %get3A_418, %lt3A_423 : vector<16xi32>
        %gather3A = tpu.vector_load_idx %arg8[%sub3A_421] masked %lt3A_424 : memref<50048xf32, #tpu.memory_space<vmem>>[vector<16xi32>], vector<16xf32>, vector<16xi1>
        tpu.vector_store_idx %arg10[%scan3A_415], %gather3A masked %lt3A_424 : memref<4096xf32, #tpu.memory_space<vmem>>[vector<16xi32>], vector<16xf32>, vector<16xi1>
        %add3A_425 = arith.constant 16 : i32
        %add3A_426 = vector.broadcast %add3A_425 : i32 to vector<16xi32>
        %add3A_427 = arith.addi %scan3A_415, %add3A_426 : vector<16xi32>
        %scan3A_428 = arith.constant 1 : i32
        %scan3A_429 = arith.addi %scan3A_414, %scan3A_428 : i32
        %mul3A_430 = arith.constant 16 : i32
        %mul3A_431 = arith.muli %scan3A_429, %mul3A_430 : i32
        %get3A_432 = arith.index_cast %mul3A_431 : i32 to index
        %get3A_433 = tpu.vector_load %arg7[%get3A_432] {strides = array<i32>} : memref<4096xi32, #tpu.memory_space<vmem>>, vector<16xi32>,
        %sub3A_434 = arith.constant 0 : i32
        %sub3A_435 = vector.broadcast %sub3A_434 : i32 to vector<16xi32>
        %sub3A_436 = arith.subi %get3A_433, %sub3A_435 : vector<16xi32>
        %lt3A_437 = arith.constant 50048 : i32
        %lt3A_438 = vector.broadcast %lt3A_437 : i32 to vector<16xi32>
        %lt3A_439 = arith.cmpi slt, %get3A_433, %lt3A_438 : vector<16xi32>
        %gather3A_440 = tpu.vector_load_idx %arg8[%sub3A_436] masked %lt3A_439 : memref<50048xf32, #tpu.memory_space<vmem>>[vector<16xi32>], vector<16xf32>, vector<16xi1>
        tpu.vector_store_idx %arg10[%add3A_427], %gather3A_440 masked %lt3A_439 : memref<4096xf32, #tpu.memory_space<vmem>>[vector<16xi32>], vector<16xf32>, vector<16xi1>
        %add3A_441 = arith.constant 16 : i32
        %add3A_442 = vector.broadcast %add3A_441 : i32 to vector<16xi32>
        %add3A_443 = arith.addi %add3A_427, %add3A_442 : vector<16xi32>
        %scan3A_444 = arith.constant 2 : i32
        %scan3A_445 = arith.addi %scan3A_414, %scan3A_444 : i32
        %mul3A_446 = arith.constant 16 : i32
        %mul3A_447 = arith.muli %scan3A_445, %mul3A_446 : i32
        %get3A_448 = arith.index_cast %mul3A_447 : i32 to index
        %get3A_449 = tpu.vector_load %arg7[%get3A_448] {strides = array<i32>} : memref<4096xi32, #tpu.memory_space<vmem>>, vector<16xi32>,
        %sub3A_450 = arith.constant 0 : i32
        %sub3A_451 = vector.broadcast %sub3A_450 : i32 to vector<16xi32>
        %sub3A_452 = arith.subi %get3A_449, %sub3A_451 : vector<16xi32>
        %lt3A_453 = arith.constant 50048 : i32
        %lt3A_454 = vector.broadcast %lt3A_453 : i32 to vector<16xi32>
        %lt3A_455 = arith.cmpi slt, %get3A_449, %lt3A_454 : vector<16xi32>
        %gather3A_456 = tpu.vector_load_idx %arg8[%sub3A_452] masked %lt3A_455 : memref<50048xf32, #tpu.memory_space<vmem>>[vector<16xi32>], vector<16xf32>, vector<16xi1>
        tpu.vector_store_idx %arg10[%add3A_443], %gather3A_456 masked %lt3A_455 : memref<4096xf32, #tpu.memory_space<vmem>>[vector<16xi32>], vector<16xf32>, vector<16xi1>
        %add3A_457 = arith.constant 16 : i32
        %add3A_458 = vector.broadcast %add3A_457 : i32 to vector<16xi32>
        %add3A_459 = arith.addi %add3A_443, %add3A_458 : vector<16xi32>
        %scan3A_460 = arith.constant 3 : i32
        %scan3A_461 = arith.addi %scan3A_414, %scan3A_460 : i32
        %mul3A_462 = arith.constant 16 : i32
        %mul3A_463 = arith.muli %scan3A_461, %mul3A_462 : i32
        %get3A_464 = arith.index_cast %mul3A_463 : i32 to index
        %get3A_465 = tpu.vector_load %arg7[%get3A_464] {strides = array<i32>} : memref<4096xi32, #tpu.memory_space<vmem>>, vector<16xi32>,
        %sub3A_466 = arith.constant 0 : i32
        %sub3A_467 = vector.broadcast %sub3A_466 : i32 to vector<16xi32>
        %sub3A_468 = arith.subi %get3A_465, %sub3A_467 : vector<16xi32>
        %lt3A_469 = arith.constant 50048 : i32
        %lt3A_470 = vector.broadcast %lt3A_469 : i32 to vector<16xi32>
        %lt3A_471 = arith.cmpi slt, %get3A_465, %lt3A_470 : vector<16xi32>
        %gather3A_472 = tpu.vector_load_idx %arg8[%sub3A_468] masked %lt3A_471 : memref<50048xf32, #tpu.memory_space<vmem>>[vector<16xi32>], vector<16xf32>, vector<16xi1>
        tpu.vector_store_idx %arg10[%add3A_459], %gather3A_472 masked %lt3A_471 : memref<4096xf32, #tpu.memory_space<vmem>>[vector<16xi32>], vector<16xf32>, vector<16xi1>
        %add3A_473 = arith.constant 16 : i32
        %add3A_474 = vector.broadcast %add3A_473 : i32 to vector<16xi32>
        %add3A_475 = arith.addi %add3A_459, %add3A_474 : vector<16xi32>
        %scan3A_476 = arith.constant 4 : i32
        %scan3A_477 = arith.addi %scan3A_414, %scan3A_476 : i32
        %mul3A_478 = arith.constant 16 : i32
        %mul3A_479 = arith.muli %scan3A_477, %mul3A_478 : i32
        %get3A_480 = arith.index_cast %mul3A_479 : i32 to index
        %get3A_481 = tpu.vector_load %arg7[%get3A_480] {strides = array<i32>} : memref<4096xi32, #tpu.memory_space<vmem>>, vector<16xi32>,
        %sub3A_482 = arith.constant 0 : i32
        %sub3A_483 = vector.broadcast %sub3A_482 : i32 to vector<16xi32>
        %sub3A_484 = arith.subi %get3A_481, %sub3A_483 : vector<16xi32>
        %lt3A_485 = arith.constant 50048 : i32
        %lt3A_486 = vector.broadcast %lt3A_485 : i32 to vector<16xi32>
        %lt3A_487 = arith.cmpi slt, %get3A_481, %lt3A_486 : vector<16xi32>
        %gather3A_488 = tpu.vector_load_idx %arg8[%sub3A_484] masked %lt3A_487 : memref<50048xf32, #tpu.memory_space<vmem>>[vector<16xi32>], vector<16xf32>, vector<16xi1>
        tpu.vector_store_idx %arg10[%add3A_475], %gather3A_488 masked %lt3A_487 : memref<4096xf32, #tpu.memory_space<vmem>>[vector<16xi32>], vector<16xf32>, vector<16xi1>
        %add3A_489 = arith.constant 16 : i32
        %add3A_490 = vector.broadcast %add3A_489 : i32 to vector<16xi32>
        %add3A_491 = arith.addi %add3A_475, %add3A_490 : vector<16xi32>
        %scan3A_492 = arith.constant 5 : i32
        %scan3A_493 = arith.addi %scan3A_414, %scan3A_492 : i32
        %mul3A_494 = arith.constant 16 : i32
        %mul3A_495 = arith.muli %scan3A_493, %mul3A_494 : i32
        %get3A_496 = arith.index_cast %mul3A_495 : i32 to index
        %get3A_497 = tpu.vector_load %arg7[%get3A_496] {strides = array<i32>} : memref<4096xi32, #tpu.memory_space<vmem>>, vector<16xi32>,
        %sub3A_498 = arith.constant 0 : i32
        %sub3A_499 = vector.broadcast %sub3A_498 : i32 to vector<16xi32>
        %sub3A_500 = arith.subi %get3A_497, %sub3A_499 : vector<16xi32>
        %lt3A_501 = arith.constant 50048 : i32
        %lt3A_502 = vector.broadcast %lt3A_501 : i32 to vector<16xi32>
        %lt3A_503 = arith.cmpi slt, %get3A_497, %lt3A_502 : vector<16xi32>
        %gather3A_504 = tpu.vector_load_idx %arg8[%sub3A_500] masked %lt3A_503 : memref<50048xf32, #tpu.memory_space<vmem>>[vector<16xi32>], vector<16xf32>, vector<16xi1>
        tpu.vector_store_idx %arg10[%add3A_491], %gather3A_504 masked %lt3A_503 : memref<4096xf32, #tpu.memory_space<vmem>>[vector<16xi32>], vector<16xf32>, vector<16xi1>
        %add3A_505 = arith.constant 16 : i32
        %add3A_506 = vector.broadcast %add3A_505 : i32 to vector<16xi32>
        %add3A_507 = arith.addi %add3A_491, %add3A_506 : vector<16xi32>
        %scan3A_508 = arith.constant 6 : i32
        %scan3A_509 = arith.addi %scan3A_414, %scan3A_508 : i32
        %mul3A_510 = arith.constant 16 : i32
        %mul3A_511 = arith.muli %scan3A_509, %mul3A_510 : i32
        %get3A_512 = arith.index_cast %mul3A_511 : i32 to index
        %get3A_513 = tpu.vector_load %arg7[%get3A_512] {strides = array<i32>} : memref<4096xi32, #tpu.memory_space<vmem>>, vector<16xi32>,
        %sub3A_514 = arith.constant 0 : i32
        %sub3A_515 = vector.broadcast %sub3A_514 : i32 to vector<16xi32>
        %sub3A_516 = arith.subi %get3A_513, %sub3A_515 : vector<16xi32>
        %lt3A_517 = arith.constant 50048 : i32
        %lt3A_518 = vector.broadcast %lt3A_517 : i32 to vector<16xi32>
        %lt3A_519 = arith.cmpi slt, %get3A_513, %lt3A_518 : vector<16xi32>
        %gather3A_520 = tpu.vector_load_idx %arg8[%sub3A_516] masked %lt3A_519 : memref<50048xf32, #tpu.memory_space<vmem>>[vector<16xi32>], vector<16xf32>, vector<16xi1>
        tpu.vector_store_idx %arg10[%add3A_507], %gather3A_520 masked %lt3A_519 : memref<4096xf32, #tpu.memory_space<vmem>>[vector<16xi32>], vector<16xf32>, vector<16xi1>
        %add3A_521 = arith.constant 16 : i32
        %add3A_522 = vector.broadcast %add3A_521 : i32 to vector<16xi32>
        %add3A_523 = arith.addi %add3A_507, %add3A_522 : vector<16xi32>
        %scan3A_524 = arith.constant 7 : i32
        %scan3A_525 = arith.addi %scan3A_414, %scan3A_524 : i32
        %mul3A_526 = arith.constant 16 : i32
        %mul3A_527 = arith.muli %scan3A_525, %mul3A_526 : i32
        %get3A_528 = arith.index_cast %mul3A_527 : i32 to index
        %get3A_529 = tpu.vector_load %arg7[%get3A_528] {strides = array<i32>} : memref<4096xi32, #tpu.memory_space<vmem>>, vector<16xi32>,
        %sub3A_530 = arith.constant 0 : i32
        %sub3A_531 = vector.broadcast %sub3A_530 : i32 to vector<16xi32>
        %sub3A_532 = arith.subi %get3A_529, %sub3A_531 : vector<16xi32>
        %lt3A_533 = arith.constant 50048 : i32
        %lt3A_534 = vector.broadcast %lt3A_533 : i32 to vector<16xi32>
        %lt3A_535 = arith.cmpi slt, %get3A_529, %lt3A_534 : vector<16xi32>
        %gather3A_536 = tpu.vector_load_idx %arg8[%sub3A_532] masked %lt3A_535 : memref<50048xf32, #tpu.memory_space<vmem>>[vector<16xi32>], vector<16xf32>, vector<16xi1>
        tpu.vector_store_idx %arg10[%add3A_523], %gather3A_536 masked %lt3A_535 : memref<4096xf32, #tpu.memory_space<vmem>>[vector<16xi32>], vector<16xf32>, vector<16xi1>
        %add3A_537 = arith.constant 16 : i32
        %add3A_538 = vector.broadcast %add3A_537 : i32 to vector<16xi32>
        %add3A_539 = arith.addi %add3A_523, %add3A_538 : vector<16xi32>
        scf.yield %add3A_539 : vector<16xi32>
      }
      %scan3A_288 = arith.constant 256 : i32
      %dma_start3A_289 = arith.constant 0 : i32
      %dma_start3A_290 = tpu.memref_slice %arg3[%add3A_84, %add3A_275, %dma_start3A_289] : memref<26x64x100000xf32, #tpu.memory_space<hbm>> -> memref<1x1x50048xf32, #tpu.memory_space<hbm>>
      %dma_start3A_291 = tpu.memref_squeeze %dma_start3A_290 : memref<1x1x50048xf32, #tpu.memory_space<hbm>> -> memref<50048xf32, #tpu.memory_space<hbm>>
      %dma_start3A_292 = arith.constant 0 : i32
      %dma_start3A_293 = tpu.memref_slice %arg3[%add3A_84, %add3A_275, %dma_start3A_292] : memref<26x64x100000xf32, #tpu.memory_space<hbm>> -> memref<1x1x50048xf32, #tpu.memory_space<hbm>>
      %dma_start3A_294 = tpu.memref_squeeze %dma_start3A_293 : memref<1x1x50048xf32, #tpu.memory_space<hbm>> -> memref<50048xf32, #tpu.memory_space<hbm>>
      tpu.enqueue_dma source(%dma_start3A_294 : memref<50048xf32, #tpu.memory_space<hbm>>) target(%arg8 : memref<50048xf32, #tpu.memory_space<vmem>>) target_semaphore(%arg12 : memref<!tpu.dma_semaphore, #tpu.memory_space<semaphore_mem>>)
      %dma_wait3A_295 = arith.constant 0 : i32
      %dma_wait3A_296 = tpu.memref_slice %arg9[%dma_wait3A_295] : memref<50048xf32, #tpu.memory_space<vmem>> -> memref<49920xf32, #tpu.memory_space<vmem>>
      %dma_wait3A_297 = arith.constant 50048 : i32
      %dma_wait3A_298 = tpu.memref_slice %arg3[%add3A_84, %add3A, %dma_wait3A_297] : memref<26x64x100000xf32, #tpu.memory_space<hbm>> -> memref<1x1x49920xf32, #tpu.memory_space<hbm>>
      %dma_wait3A_299 = tpu.memref_squeeze %dma_wait3A_298 : memref<1x1x49920xf32, #tpu.memory_space<hbm>> -> memref<49920xf32, #tpu.memory_space<hbm>>
      %dma_wait3A_300 = arith.constant 0 : i32
      %dma_wait3A_301 = tpu.memref_slice %arg9[%dma_wait3A_300] : memref<50048xf32, #tpu.memory_space<vmem>> -> memref<49920xf32, #tpu.memory_space<vmem>>
      %dma_wait3A_302 = arith.constant 50048 : i32
      %dma_wait3A_303 = tpu.memref_slice %arg3[%add3A_84, %add3A, %dma_wait3A_302] : memref<26x64x100000xf32, #tpu.memory_space<hbm>> -> memref<1x1x49920xf32, #tpu.memory_space<hbm>>
      %dma_wait3A_304 = tpu.memref_squeeze %dma_wait3A_303 : memref<1x1x49920xf32, #tpu.memory_space<hbm>> -> memref<49920xf32, #tpu.memory_space<hbm>>
      tpu.wait_dma2 semaphore(%arg13 : memref<!tpu.dma_semaphore, #tpu.memory_space<semaphore_mem>>) src(%dma_wait3A_304 : memref<49920xf32, #tpu.memory_space<hbm>>) dst(%dma_wait3A_301 : memref<49920xf32, #tpu.memory_space<vmem>>)
      %dma_wait3A_305 = arith.constant 49920 : i32
      %dma_wait3A_306 = tpu.memref_slice %arg9[%dma_wait3A_305] : memref<50048xf32, #tpu.memory_space<vmem>> -> memref<128xf32, #tpu.memory_space<vmem>>
      %dma_wait3A_307 = arith.constant 0 : i32
      %dma_wait3A_308 = tpu.memref_slice %arg4[%add3A_84, %add3A, %dma_wait3A_307] : memref<26x64x128xf32, #tpu.memory_space<hbm>> -> memref<1x1x128xf32, #tpu.memory_space<hbm>>
      %dma_wait3A_309 = tpu.memref_squeeze %dma_wait3A_308 : memref<1x1x128xf32, #tpu.memory_space<hbm>> -> memref<128xf32, #tpu.memory_space<hbm>>
      %dma_wait3A_310 = arith.constant 49920 : i32
      %dma_wait3A_311 = tpu.memref_slice %arg9[%dma_wait3A_310] : memref<50048xf32, #tpu.memory_space<vmem>> -> memref<128xf32, #tpu.memory_space<vmem>>
      %dma_wait3A_312 = arith.constant 0 : i32
      %dma_wait3A_313 = tpu.memref_slice %arg4[%add3A_84, %add3A, %dma_wait3A_312] : memref<26x64x128xf32, #tpu.memory_space<hbm>> -> memref<1x1x128xf32, #tpu.memory_space<hbm>>
      %dma_wait3A_314 = tpu.memref_squeeze %dma_wait3A_313 : memref<1x1x128xf32, #tpu.memory_space<hbm>> -> memref<128xf32, #tpu.memory_space<hbm>>
      tpu.wait_dma2 semaphore(%arg13 : memref<!tpu.dma_semaphore, #tpu.memory_space<semaphore_mem>>) src(%dma_wait3A_314 : memref<128xf32, #tpu.memory_space<hbm>>) dst(%dma_wait3A_311 : memref<128xf32, #tpu.memory_space<vmem>>)
      %iota3A_315 = tpu.iota {dimensions = array<i32: 0>} : vector<16xi32>
      %scan3A_316 = arith.constant 0 : i32
      %scan3A_317 = arith.constant 256 : i32
      %scan3A_318 = arith.addi %scan3A_316, %scan3A_317 : i32
      %scan3A_319 = arith.constant 8 : i32
      %scan3A_320 = scf.for %scan3A_414 = %scan3A_316 to %scan3A_318 step %scan3A_319 iter_args(%scan3A_415 = %iota3A_315) -> (vector<16xi32>)  : i32 {
        %mul3A_416 = arith.constant 16 : i32
        %mul3A_417 = arith.muli %scan3A_414, %mul3A_416 : i32
        %get3A = arith.index_cast %mul3A_417 : i32 to index
        %get3A_418 = tpu.vector_load %arg7[%get3A] {strides = array<i32>} : memref<4096xi32, #tpu.memory_space<vmem>>, vector<16xi32>,
        %sub3A_419 = arith.constant 50048 : i32
        %sub3A_420 = vector.broadcast %sub3A_419 : i32 to vector<16xi32>
        %sub3A_421 = arith.subi %get3A_418, %sub3A_420 : vector<16xi32>
        %ge3A = arith.constant 50048 : i32
        %ge3A_422 = vector.broadcast %ge3A : i32 to vector<16xi32>
        %ge3A_423 = arith.cmpi sge, %get3A_418, %ge3A_422 : vector<16xi32>
        %gather3A = tpu.vector_load_idx %arg9[%sub3A_421] masked %ge3A_423 : memref<50048xf32, #tpu.memory_space<vmem>>[vector<16xi32>], vector<16xf32>, vector<16xi1>
        tpu.vector_store_idx %arg10[%scan3A_415], %gather3A masked %ge3A_423 : memref<4096xf32, #tpu.memory_space<vmem>>[vector<16xi32>], vector<16xf32>, vector<16xi1>
        %add3A_424 = arith.constant 16 : i32
        %add3A_425 = vector.broadcast %add3A_424 : i32 to vector<16xi32>
        %add3A_426 = arith.addi %scan3A_415, %add3A_425 : vector<16xi32>
        %scan3A_427 = arith.constant 1 : i32
        %scan3A_428 = arith.addi %scan3A_414, %scan3A_427 : i32
        %mul3A_429 = arith.constant 16 : i32
        %mul3A_430 = arith.muli %scan3A_428, %mul3A_429 : i32
        %get3A_431 = arith.index_cast %mul3A_430 : i32 to index
        %get3A_432 = tpu.vector_load %arg7[%get3A_431] {strides = array<i32>} : memref<4096xi32, #tpu.memory_space<vmem>>, vector<16xi32>,
        %sub3A_433 = arith.constant 50048 : i32
        %sub3A_434 = vector.broadcast %sub3A_433 : i32 to vector<16xi32>
        %sub3A_435 = arith.subi %get3A_432, %sub3A_434 : vector<16xi32>
        %ge3A_436 = arith.constant 50048 : i32
        %ge3A_437 = vector.broadcast %ge3A_436 : i32 to vector<16xi32>
        %ge3A_438 = arith.cmpi sge, %get3A_432, %ge3A_437 : vector<16xi32>
        %gather3A_439 = tpu.vector_load_idx %arg9[%sub3A_435] masked %ge3A_438 : memref<50048xf32, #tpu.memory_space<vmem>>[vector<16xi32>], vector<16xf32>, vector<16xi1>
        tpu.vector_store_idx %arg10[%add3A_426], %gather3A_439 masked %ge3A_438 : memref<4096xf32, #tpu.memory_space<vmem>>[vector<16xi32>], vector<16xf32>, vector<16xi1>
        %add3A_440 = arith.constant 16 : i32
        %add3A_441 = vector.broadcast %add3A_440 : i32 to vector<16xi32>
        %add3A_442 = arith.addi %add3A_426, %add3A_441 : vector<16xi32>
        %scan3A_443 = arith.constant 2 : i32
        %scan3A_444 = arith.addi %scan3A_414, %scan3A_443 : i32
        %mul3A_445 = arith.constant 16 : i32
        %mul3A_446 = arith.muli %scan3A_444, %mul3A_445 : i32
        %get3A_447 = arith.index_cast %mul3A_446 : i32 to index
        %get3A_448 = tpu.vector_load %arg7[%get3A_447] {strides = array<i32>} : memref<4096xi32, #tpu.memory_space<vmem>>, vector<16xi32>,
        %sub3A_449 = arith.constant 50048 : i32
        %sub3A_450 = vector.broadcast %sub3A_449 : i32 to vector<16xi32>
        %sub3A_451 = arith.subi %get3A_448, %sub3A_450 : vector<16xi32>
        %ge3A_452 = arith.constant 50048 : i32
        %ge3A_453 = vector.broadcast %ge3A_452 : i32 to vector<16xi32>
        %ge3A_454 = arith.cmpi sge, %get3A_448, %ge3A_453 : vector<16xi32>
        %gather3A_455 = tpu.vector_load_idx %arg9[%sub3A_451] masked %ge3A_454 : memref<50048xf32, #tpu.memory_space<vmem>>[vector<16xi32>], vector<16xf32>, vector<16xi1>
        tpu.vector_store_idx %arg10[%add3A_442], %gather3A_455 masked %ge3A_454 : memref<4096xf32, #tpu.memory_space<vmem>>[vector<16xi32>], vector<16xf32>, vector<16xi1>
        %add3A_456 = arith.constant 16 : i32
        %add3A_457 = vector.broadcast %add3A_456 : i32 to vector<16xi32>
        %add3A_458 = arith.addi %add3A_442, %add3A_457 : vector<16xi32>
        %scan3A_459 = arith.constant 3 : i32
        %scan3A_460 = arith.addi %scan3A_414, %scan3A_459 : i32
        %mul3A_461 = arith.constant 16 : i32
        %mul3A_462 = arith.muli %scan3A_460, %mul3A_461 : i32
        %get3A_463 = arith.index_cast %mul3A_462 : i32 to index
        %get3A_464 = tpu.vector_load %arg7[%get3A_463] {strides = array<i32>} : memref<4096xi32, #tpu.memory_space<vmem>>, vector<16xi32>,
        %sub3A_465 = arith.constant 50048 : i32
        %sub3A_466 = vector.broadcast %sub3A_465 : i32 to vector<16xi32>
        %sub3A_467 = arith.subi %get3A_464, %sub3A_466 : vector<16xi32>
        %ge3A_468 = arith.constant 50048 : i32
        %ge3A_469 = vector.broadcast %ge3A_468 : i32 to vector<16xi32>
        %ge3A_470 = arith.cmpi sge, %get3A_464, %ge3A_469 : vector<16xi32>
        %gather3A_471 = tpu.vector_load_idx %arg9[%sub3A_467] masked %ge3A_470 : memref<50048xf32, #tpu.memory_space<vmem>>[vector<16xi32>], vector<16xf32>, vector<16xi1>
        tpu.vector_store_idx %arg10[%add3A_458], %gather3A_471 masked %ge3A_470 : memref<4096xf32, #tpu.memory_space<vmem>>[vector<16xi32>], vector<16xf32>, vector<16xi1>
        %add3A_472 = arith.constant 16 : i32
        %add3A_473 = vector.broadcast %add3A_472 : i32 to vector<16xi32>
        %add3A_474 = arith.addi %add3A_458, %add3A_473 : vector<16xi32>
        %scan3A_475 = arith.constant 4 : i32
        %scan3A_476 = arith.addi %scan3A_414, %scan3A_475 : i32
        %mul3A_477 = arith.constant 16 : i32
        %mul3A_478 = arith.muli %scan3A_476, %mul3A_477 : i32
        %get3A_479 = arith.index_cast %mul3A_478 : i32 to index
        %get3A_480 = tpu.vector_load %arg7[%get3A_479] {strides = array<i32>} : memref<4096xi32, #tpu.memory_space<vmem>>, vector<16xi32>,
        %sub3A_481 = arith.constant 50048 : i32
        %sub3A_482 = vector.broadcast %sub3A_481 : i32 to vector<16xi32>
        %sub3A_483 = arith.subi %get3A_480, %sub3A_482 : vector<16xi32>
        %ge3A_484 = arith.constant 50048 : i32
        %ge3A_485 = vector.broadcast %ge3A_484 : i32 to vector<16xi32>
        %ge3A_486 = arith.cmpi sge, %get3A_480, %ge3A_485 : vector<16xi32>
        %gather3A_487 = tpu.vector_load_idx %arg9[%sub3A_483] masked %ge3A_486 : memref<50048xf32, #tpu.memory_space<vmem>>[vector<16xi32>], vector<16xf32>, vector<16xi1>
        tpu.vector_store_idx %arg10[%add3A_474], %gather3A_487 masked %ge3A_486 : memref<4096xf32, #tpu.memory_space<vmem>>[vector<16xi32>], vector<16xf32>, vector<16xi1>
        %add3A_488 = arith.constant 16 : i32
        %add3A_489 = vector.broadcast %add3A_488 : i32 to vector<16xi32>
        %add3A_490 = arith.addi %add3A_474, %add3A_489 : vector<16xi32>
        %scan3A_491 = arith.constant 5 : i32
        %scan3A_492 = arith.addi %scan3A_414, %scan3A_491 : i32
        %mul3A_493 = arith.constant 16 : i32
        %mul3A_494 = arith.muli %scan3A_492, %mul3A_493 : i32
        %get3A_495 = arith.index_cast %mul3A_494 : i32 to index
        %get3A_496 = tpu.vector_load %arg7[%get3A_495] {strides = array<i32>} : memref<4096xi32, #tpu.memory_space<vmem>>, vector<16xi32>,
        %sub3A_497 = arith.constant 50048 : i32
        %sub3A_498 = vector.broadcast %sub3A_497 : i32 to vector<16xi32>
        %sub3A_499 = arith.subi %get3A_496, %sub3A_498 : vector<16xi32>
        %ge3A_500 = arith.constant 50048 : i32
        %ge3A_501 = vector.broadcast %ge3A_500 : i32 to vector<16xi32>
        %ge3A_502 = arith.cmpi sge, %get3A_496, %ge3A_501 : vector<16xi32>
        %gather3A_503 = tpu.vector_load_idx %arg9[%sub3A_499] masked %ge3A_502 : memref<50048xf32, #tpu.memory_space<vmem>>[vector<16xi32>], vector<16xf32>, vector<16xi1>
        tpu.vector_store_idx %arg10[%add3A_490], %gather3A_503 masked %ge3A_502 : memref<4096xf32, #tpu.memory_space<vmem>>[vector<16xi32>], vector<16xf32>, vector<16xi1>
        %add3A_504 = arith.constant 16 : i32
        %add3A_505 = vector.broadcast %add3A_504 : i32 to vector<16xi32>
        %add3A_506 = arith.addi %add3A_490, %add3A_505 : vector<16xi32>
        %scan3A_507 = arith.constant 6 : i32
        %scan3A_508 = arith.addi %scan3A_414, %scan3A_507 : i32
        %mul3A_509 = arith.constant 16 : i32
        %mul3A_510 = arith.muli %scan3A_508, %mul3A_509 : i32
        %get3A_511 = arith.index_cast %mul3A_510 : i32 to index
        %get3A_512 = tpu.vector_load %arg7[%get3A_511] {strides = array<i32>} : memref<4096xi32, #tpu.memory_space<vmem>>, vector<16xi32>,
        %sub3A_513 = arith.constant 50048 : i32
        %sub3A_514 = vector.broadcast %sub3A_513 : i32 to vector<16xi32>
        %sub3A_515 = arith.subi %get3A_512, %sub3A_514 : vector<16xi32>
        %ge3A_516 = arith.constant 50048 : i32
        %ge3A_517 = vector.broadcast %ge3A_516 : i32 to vector<16xi32>
        %ge3A_518 = arith.cmpi sge, %get3A_512, %ge3A_517 : vector<16xi32>
        %gather3A_519 = tpu.vector_load_idx %arg9[%sub3A_515] masked %ge3A_518 : memref<50048xf32, #tpu.memory_space<vmem>>[vector<16xi32>], vector<16xf32>, vector<16xi1>
        tpu.vector_store_idx %arg10[%add3A_506], %gather3A_519 masked %ge3A_518 : memref<4096xf32, #tpu.memory_space<vmem>>[vector<16xi32>], vector<16xf32>, vector<16xi1>
        %add3A_520 = arith.constant 16 : i32
        %add3A_521 = vector.broadcast %add3A_520 : i32 to vector<16xi32>
        %add3A_522 = arith.addi %add3A_506, %add3A_521 : vector<16xi32>
        %scan3A_523 = arith.constant 7 : i32
        %scan3A_524 = arith.addi %scan3A_414, %scan3A_523 : i32
        %mul3A_525 = arith.constant 16 : i32
        %mul3A_526 = arith.muli %scan3A_524, %mul3A_525 : i32
        %get3A_527 = arith.index_cast %mul3A_526 : i32 to index
        %get3A_528 = tpu.vector_load %arg7[%get3A_527] {strides = array<i32>} : memref<4096xi32, #tpu.memory_space<vmem>>, vector<16xi32>,
        %sub3A_529 = arith.constant 50048 : i32
        %sub3A_530 = vector.broadcast %sub3A_529 : i32 to vector<16xi32>
        %sub3A_531 = arith.subi %get3A_528, %sub3A_530 : vector<16xi32>
        %ge3A_532 = arith.constant 50048 : i32
        %ge3A_533 = vector.broadcast %ge3A_532 : i32 to vector<16xi32>
        %ge3A_534 = arith.cmpi sge, %get3A_528, %ge3A_533 : vector<16xi32>
        %gather3A_535 = tpu.vector_load_idx %arg9[%sub3A_531] masked %ge3A_534 : memref<50048xf32, #tpu.memory_space<vmem>>[vector<16xi32>], vector<16xf32>, vector<16xi1>
        tpu.vector_store_idx %arg10[%add3A_522], %gather3A_535 masked %ge3A_534 : memref<4096xf32, #tpu.memory_space<vmem>>[vector<16xi32>], vector<16xf32>, vector<16xi1>
        %add3A_536 = arith.constant 16 : i32
        %add3A_537 = vector.broadcast %add3A_536 : i32 to vector<16xi32>
        %add3A_538 = arith.addi %add3A_522, %add3A_537 : vector<16xi32>
        scf.yield %add3A_538 : vector<16xi32>
      }
      %scan3A_321 = arith.constant 256 : i32
      %dma_start3A_322 = arith.constant 0 : i32
      %dma_start3A_323 = tpu.memref_slice %arg9[%dma_start3A_322] : memref<50048xf32, #tpu.memory_space<vmem>> -> memref<49920xf32, #tpu.memory_space<vmem>>
      %dma_start3A_324 = arith.constant 50048 : i32
      %dma_start3A_325 = tpu.memref_slice %arg3[%add3A_84, %add3A_275, %dma_start3A_324] : memref<26x64x100000xf32, #tpu.memory_space<hbm>> -> memref<1x1x49920xf32, #tpu.memory_space<hbm>>
      %dma_start3A_326 = tpu.memref_squeeze %dma_start3A_325 : memref<1x1x49920xf32, #tpu.memory_space<hbm>> -> memref<49920xf32, #tpu.memory_space<hbm>>
      %dma_start3A_327 = arith.constant 0 : i32
      %dma_start3A_328 = tpu.memref_slice %arg9[%dma_start3A_327] : memref<50048xf32, #tpu.memory_space<vmem>> -> memref<49920xf32, #tpu.memory_space<vmem>>
      %dma_start3A_329 = arith.constant 50048 : i32
      %dma_start3A_330 = tpu.memref_slice %arg3[%add3A_84, %add3A_275, %dma_start3A_329] : memref<26x64x100000xf32, #tpu.memory_space<hbm>> -> memref<1x1x49920xf32, #tpu.memory_space<hbm>>
      %dma_start3A_331 = tpu.memref_squeeze %dma_start3A_330 : memref<1x1x49920xf32, #tpu.memory_space<hbm>> -> memref<49920xf32, #tpu.memory_space<hbm>>
      tpu.enqueue_dma source(%dma_start3A_331 : memref<49920xf32, #tpu.memory_space<hbm>>) target(%dma_start3A_328 : memref<49920xf32, #tpu.memory_space<vmem>>) target_semaphore(%arg13 : memref<!tpu.dma_semaphore, #tpu.memory_space<semaphore_mem>>)
      %dma_start3A_332 = arith.constant 49920 : i32
      %dma_start3A_333 = tpu.memref_slice %arg9[%dma_start3A_332] : memref<50048xf32, #tpu.memory_space<vmem>> -> memref<128xf32, #tpu.memory_space<vmem>>
      %dma_start3A_334 = arith.constant 0 : i32
      %dma_start3A_335 = tpu.memref_slice %arg4[%add3A_84, %add3A_275, %dma_start3A_334] : memref<26x64x128xf32, #tpu.memory_space<hbm>> -> memref<1x1x128xf32, #tpu.memory_space<hbm>>
      %dma_start3A_336 = tpu.memref_squeeze %dma_start3A_335 : memref<1x1x128xf32, #tpu.memory_space<hbm>> -> memref<128xf32, #tpu.memory_space<hbm>>
      %dma_start3A_337 = arith.constant 49920 : i32
      %dma_start3A_338 = tpu.memref_slice %arg9[%dma_start3A_337] : memref<50048xf32, #tpu.memory_space<vmem>> -> memref<128xf32, #tpu.memory_space<vmem>>
      %dma_start3A_339 = arith.constant 0 : i32
      %dma_start3A_340 = tpu.memref_slice %arg4[%add3A_84, %add3A_275, %dma_start3A_339] : memref<26x64x128xf32, #tpu.memory_space<hbm>> -> memref<1x1x128xf32, #tpu.memory_space<hbm>>
      %dma_start3A_341 = tpu.memref_squeeze %dma_start3A_340 : memref<1x1x128xf32, #tpu.memory_space<hbm>> -> memref<128xf32, #tpu.memory_space<hbm>>
      tpu.enqueue_dma source(%dma_start3A_341 : memref<128xf32, #tpu.memory_space<hbm>>) target(%dma_start3A_338 : memref<128xf32, #tpu.memory_space<vmem>>) target_semaphore(%arg13 : memref<!tpu.dma_semaphore, #tpu.memory_space<semaphore_mem>>)
      %dma_start3A_342 = arith.constant 0 : i32
      %dma_start3A_343 = tpu.memref_slice %arg5[%add3A_84, %add3A, %dma_start3A_342] : memref<26x64x4096xf32, #tpu.memory_space<hbm>> -> memref<1x1x4096xf32, #tpu.memory_space<hbm>>
      %dma_start3A_344 = tpu.memref_squeeze %dma_start3A_343 : memref<1x1x4096xf32, #tpu.memory_space<hbm>> -> memref<4096xf32, #tpu.memory_space<hbm>>
      %dma_start3A_345 = arith.constant 0 : i32
      %dma_start3A_346 = tpu.memref_slice %arg5[%add3A_84, %add3A, %dma_start3A_345] : memref<26x64x4096xf32, #tpu.memory_space<hbm>> -> memref<1x1x4096xf32, #tpu.memory_space<hbm>>
      %dma_start3A_347 = tpu.memref_squeeze %dma_start3A_346 : memref<1x1x4096xf32, #tpu.memory_space<hbm>> -> memref<4096xf32, #tpu.memory_space<hbm>>
      tpu.enqueue_dma source(%arg10 : memref<4096xf32, #tpu.memory_space<vmem>>) target(%dma_start3A_347 : memref<4096xf32, #tpu.memory_space<hbm>>) target_semaphore(%arg15 : memref<!tpu.dma_semaphore, #tpu.memory_space<semaphore_mem>>)
      %dma_wait3A_348 = arith.constant 0 : i32
      %dma_wait3A_349 = arith.constant 0 : i32
      %dma_wait3A_350 = tpu.memref_slice %arg5[%dma_wait3A_348, %add3A, %dma_wait3A_349] : memref<26x64x4096xf32, #tpu.memory_space<hbm>> -> memref<1x1x4096xf32, #tpu.memory_space<hbm>>
      %dma_wait3A_351 = tpu.memref_squeeze %dma_wait3A_350 : memref<1x1x4096xf32, #tpu.memory_space<hbm>> -> memref<4096xf32, #tpu.memory_space<hbm>>
      %dma_wait3A_352 = arith.constant 0 : i32
      %dma_wait3A_353 = tpu.memref_slice %arg5[%dma_wait3A_348, %add3A, %dma_wait3A_352] : memref<26x64x4096xf32, #tpu.memory_space<hbm>> -> memref<1x1x4096xf32, #tpu.memory_space<hbm>>
      %dma_wait3A_354 = tpu.memref_squeeze %dma_wait3A_353 : memref<1x1x4096xf32, #tpu.memory_space<hbm>> -> memref<4096xf32, #tpu.memory_space<hbm>>
      tpu.wait_dma2 semaphore(%arg15 : memref<!tpu.dma_semaphore, #tpu.memory_space<semaphore_mem>>) src(%arg11 : memref<4096xf32, #tpu.memory_space<vmem>>) dst(%dma_wait3A_354 : memref<4096xf32, #tpu.memory_space<hbm>>)
      %add3A_355 = arith.constant 32 : i32
      %add3A_356 = arith.addi %add3A_355, %add3A : i32
      %add3A_357 = arith.constant 1 : i32
      %add3A_358 = arith.addi %scan3A_76, %add3A_357 : i32
      %lt3A_359 = arith.constant 13 : i32
      %lt3A_360 = arith.cmpi slt, %add3A_358, %lt3A_359 : i32
      %dma_wait3A_361 = arith.constant 0 : i32
      %dma_wait3A_362 = tpu.memref_slice %arg3[%add3A_84, %add3A_356, %dma_wait3A_361] : memref<26x64x100000xf32, #tpu.memory_space<hbm>> -> memref<1x1x50048xf32, #tpu.memory_space<hbm>>
      %dma_wait3A_363 = tpu.memref_squeeze %dma_wait3A_362 : memref<1x1x50048xf32, #tpu.memory_space<hbm>> -> memref<50048xf32, #tpu.memory_space<hbm>>
      %dma_wait3A_364 = arith.constant 0 : i32
      %dma_wait3A_365 = tpu.memref_slice %arg3[%add3A_84, %add3A_356, %dma_wait3A_364] : memref<26x64x100000xf32, #tpu.memory_space<hbm>> -> memref<1x1x50048xf32, #tpu.memory_space<hbm>>
      %dma_wait3A_366 = tpu.memref_squeeze %dma_wait3A_365 : memref<1x1x50048xf32, #tpu.memory_space<hbm>> -> memref<50048xf32, #tpu.memory_space<hbm>>
      tpu.wait_dma2 semaphore(%arg12 : memref<!tpu.dma_semaphore, #tpu.memory_space<semaphore_mem>>) src(%dma_wait3A_366 : memref<50048xf32, #tpu.memory_space<hbm>>) dst(%arg8 : memref<50048xf32, #tpu.memory_space<vmem>>)
      %iota3A_367 = tpu.iota {dimensions = array<i32: 0>} : vector<16xi32>
      %scan3A_368 = arith.constant 0 : i32
      %scan3A_369 = arith.constant 256 : i32
      %scan3A_370 = arith.addi %scan3A_368, %scan3A_369 : i32
      %scan3A_371 = arith.constant 8 : i32
      %scan3A_372 = scf.for %scan3A_414 = %scan3A_368 to %scan3A_370 step %scan3A_371 iter_args(%scan3A_415 = %iota3A_367) -> (vector<16xi32>)  : i32 {
        %mul3A_416 = arith.constant 16 : i32
        %mul3A_417 = arith.muli %scan3A_414, %mul3A_416 : i32
        %get3A = arith.index_cast %mul3A_417 : i32 to index
        %get3A_418 = tpu.vector_load %arg7[%get3A] {strides = array<i32>} : memref<4096xi32, #tpu.memory_space<vmem>>, vector<16xi32>,
        %sub3A_419 = arith.constant 0 : i32
        %sub3A_420 = vector.broadcast %sub3A_419 : i32 to vector<16xi32>
        %sub3A_421 = arith.subi %get3A_418, %sub3A_420 : vector<16xi32>
        %lt3A_422 = arith.constant 50048 : i32
        %lt3A_423 = vector.broadcast %lt3A_422 : i32 to vector<16xi32>
        %lt3A_424 = arith.cmpi slt, %get3A_418, %lt3A_423 : vector<16xi32>
        %gather3A = tpu.vector_load_idx %arg8[%sub3A_421] masked %lt3A_424 : memref<50048xf32, #tpu.memory_space<vmem>>[vector<16xi32>], vector<16xf32>, vector<16xi1>
        tpu.vector_store_idx %arg11[%scan3A_415], %gather3A masked %lt3A_424 : memref<4096xf32, #tpu.memory_space<vmem>>[vector<16xi32>], vector<16xf32>, vector<16xi1>
        %add3A_425 = arith.constant 16 : i32
        %add3A_426 = vector.broadcast %add3A_425 : i32 to vector<16xi32>
        %add3A_427 = arith.addi %scan3A_415, %add3A_426 : vector<16xi32>
        %scan3A_428 = arith.constant 1 : i32
        %scan3A_429 = arith.addi %scan3A_414, %scan3A_428 : i32
        %mul3A_430 = arith.constant 16 : i32
        %mul3A_431 = arith.muli %scan3A_429, %mul3A_430 : i32
        %get3A_432 = arith.index_cast %mul3A_431 : i32 to index
        %get3A_433 = tpu.vector_load %arg7[%get3A_432] {strides = array<i32>} : memref<4096xi32, #tpu.memory_space<vmem>>, vector<16xi32>,
        %sub3A_434 = arith.constant 0 : i32
        %sub3A_435 = vector.broadcast %sub3A_434 : i32 to vector<16xi32>
        %sub3A_436 = arith.subi %get3A_433, %sub3A_435 : vector<16xi32>
        %lt3A_437 = arith.constant 50048 : i32
        %lt3A_438 = vector.broadcast %lt3A_437 : i32 to vector<16xi32>
        %lt3A_439 = arith.cmpi slt, %get3A_433, %lt3A_438 : vector<16xi32>
        %gather3A_440 = tpu.vector_load_idx %arg8[%sub3A_436] masked %lt3A_439 : memref<50048xf32, #tpu.memory_space<vmem>>[vector<16xi32>], vector<16xf32>, vector<16xi1>
        tpu.vector_store_idx %arg11[%add3A_427], %gather3A_440 masked %lt3A_439 : memref<4096xf32, #tpu.memory_space<vmem>>[vector<16xi32>], vector<16xf32>, vector<16xi1>
        %add3A_441 = arith.constant 16 : i32
        %add3A_442 = vector.broadcast %add3A_441 : i32 to vector<16xi32>
        %add3A_443 = arith.addi %add3A_427, %add3A_442 : vector<16xi32>
        %scan3A_444 = arith.constant 2 : i32
        %scan3A_445 = arith.addi %scan3A_414, %scan3A_444 : i32
        %mul3A_446 = arith.constant 16 : i32
        %mul3A_447 = arith.muli %scan3A_445, %mul3A_446 : i32
        %get3A_448 = arith.index_cast %mul3A_447 : i32 to index
        %get3A_449 = tpu.vector_load %arg7[%get3A_448] {strides = array<i32>} : memref<4096xi32, #tpu.memory_space<vmem>>, vector<16xi32>,
        %sub3A_450 = arith.constant 0 : i32
        %sub3A_451 = vector.broadcast %sub3A_450 : i32 to vector<16xi32>
        %sub3A_452 = arith.subi %get3A_449, %sub3A_451 : vector<16xi32>
        %lt3A_453 = arith.constant 50048 : i32
        %lt3A_454 = vector.broadcast %lt3A_453 : i32 to vector<16xi32>
        %lt3A_455 = arith.cmpi slt, %get3A_449, %lt3A_454 : vector<16xi32>
        %gather3A_456 = tpu.vector_load_idx %arg8[%sub3A_452] masked %lt3A_455 : memref<50048xf32, #tpu.memory_space<vmem>>[vector<16xi32>], vector<16xf32>, vector<16xi1>
        tpu.vector_store_idx %arg11[%add3A_443], %gather3A_456 masked %lt3A_455 : memref<4096xf32, #tpu.memory_space<vmem>>[vector<16xi32>], vector<16xf32>, vector<16xi1>
        %add3A_457 = arith.constant 16 : i32
        %add3A_458 = vector.broadcast %add3A_457 : i32 to vector<16xi32>
        %add3A_459 = arith.addi %add3A_443, %add3A_458 : vector<16xi32>
        %scan3A_460 = arith.constant 3 : i32
        %scan3A_461 = arith.addi %scan3A_414, %scan3A_460 : i32
        %mul3A_462 = arith.constant 16 : i32
        %mul3A_463 = arith.muli %scan3A_461, %mul3A_462 : i32
        %get3A_464 = arith.index_cast %mul3A_463 : i32 to index
        %get3A_465 = tpu.vector_load %arg7[%get3A_464] {strides = array<i32>} : memref<4096xi32, #tpu.memory_space<vmem>>, vector<16xi32>,
        %sub3A_466 = arith.constant 0 : i32
        %sub3A_467 = vector.broadcast %sub3A_466 : i32 to vector<16xi32>
        %sub3A_468 = arith.subi %get3A_465, %sub3A_467 : vector<16xi32>
        %lt3A_469 = arith.constant 50048 : i32
        %lt3A_470 = vector.broadcast %lt3A_469 : i32 to vector<16xi32>
        %lt3A_471 = arith.cmpi slt, %get3A_465, %lt3A_470 : vector<16xi32>
        %gather3A_472 = tpu.vector_load_idx %arg8[%sub3A_468] masked %lt3A_471 : memref<50048xf32, #tpu.memory_space<vmem>>[vector<16xi32>], vector<16xf32>, vector<16xi1>
        tpu.vector_store_idx %arg11[%add3A_459], %gather3A_472 masked %lt3A_471 : memref<4096xf32, #tpu.memory_space<vmem>>[vector<16xi32>], vector<16xf32>, vector<16xi1>
        %add3A_473 = arith.constant 16 : i32
        %add3A_474 = vector.broadcast %add3A_473 : i32 to vector<16xi32>
        %add3A_475 = arith.addi %add3A_459, %add3A_474 : vector<16xi32>
        %scan3A_476 = arith.constant 4 : i32
        %scan3A_477 = arith.addi %scan3A_414, %scan3A_476 : i32
        %mul3A_478 = arith.constant 16 : i32
        %mul3A_479 = arith.muli %scan3A_477, %mul3A_478 : i32
        %get3A_480 = arith.index_cast %mul3A_479 : i32 to index
        %get3A_481 = tpu.vector_load %arg7[%get3A_480] {strides = array<i32>} : memref<4096xi32, #tpu.memory_space<vmem>>, vector<16xi32>,
        %sub3A_482 = arith.constant 0 : i32
        %sub3A_483 = vector.broadcast %sub3A_482 : i32 to vector<16xi32>
        %sub3A_484 = arith.subi %get3A_481, %sub3A_483 : vector<16xi32>
        %lt3A_485 = arith.constant 50048 : i32
        %lt3A_486 = vector.broadcast %lt3A_485 : i32 to vector<16xi32>
        %lt3A_487 = arith.cmpi slt, %get3A_481, %lt3A_486 : vector<16xi32>
        %gather3A_488 = tpu.vector_load_idx %arg8[%sub3A_484] masked %lt3A_487 : memref<50048xf32, #tpu.memory_space<vmem>>[vector<16xi32>], vector<16xf32>, vector<16xi1>
        tpu.vector_store_idx %arg11[%add3A_475], %gather3A_488 masked %lt3A_487 : memref<4096xf32, #tpu.memory_space<vmem>>[vector<16xi32>], vector<16xf32>, vector<16xi1>
        %add3A_489 = arith.constant 16 : i32
        %add3A_490 = vector.broadcast %add3A_489 : i32 to vector<16xi32>
        %add3A_491 = arith.addi %add3A_475, %add3A_490 : vector<16xi32>
        %scan3A_492 = arith.constant 5 : i32
        %scan3A_493 = arith.addi %scan3A_414, %scan3A_492 : i32
        %mul3A_494 = arith.constant 16 : i32
        %mul3A_495 = arith.muli %scan3A_493, %mul3A_494 : i32
        %get3A_496 = arith.index_cast %mul3A_495 : i32 to index
        %get3A_497 = tpu.vector_load %arg7[%get3A_496] {strides = array<i32>} : memref<4096xi32, #tpu.memory_space<vmem>>, vector<16xi32>,
        %sub3A_498 = arith.constant 0 : i32
        %sub3A_499 = vector.broadcast %sub3A_498 : i32 to vector<16xi32>
        %sub3A_500 = arith.subi %get3A_497, %sub3A_499 : vector<16xi32>
        %lt3A_501 = arith.constant 50048 : i32
        %lt3A_502 = vector.broadcast %lt3A_501 : i32 to vector<16xi32>
        %lt3A_503 = arith.cmpi slt, %get3A_497, %lt3A_502 : vector<16xi32>
        %gather3A_504 = tpu.vector_load_idx %arg8[%sub3A_500] masked %lt3A_503 : memref<50048xf32, #tpu.memory_space<vmem>>[vector<16xi32>], vector<16xf32>, vector<16xi1>
        tpu.vector_store_idx %arg11[%add3A_491], %gather3A_504 masked %lt3A_503 : memref<4096xf32, #tpu.memory_space<vmem>>[vector<16xi32>], vector<16xf32>, vector<16xi1>
        %add3A_505 = arith.constant 16 : i32
        %add3A_506 = vector.broadcast %add3A_505 : i32 to vector<16xi32>
        %add3A_507 = arith.addi %add3A_491, %add3A_506 : vector<16xi32>
        %scan3A_508 = arith.constant 6 : i32
        %scan3A_509 = arith.addi %scan3A_414, %scan3A_508 : i32
        %mul3A_510 = arith.constant 16 : i32
        %mul3A_511 = arith.muli %scan3A_509, %mul3A_510 : i32
        %get3A_512 = arith.index_cast %mul3A_511 : i32 to index
        %get3A_513 = tpu.vector_load %arg7[%get3A_512] {strides = array<i32>} : memref<4096xi32, #tpu.memory_space<vmem>>, vector<16xi32>,
        %sub3A_514 = arith.constant 0 : i32
        %sub3A_515 = vector.broadcast %sub3A_514 : i32 to vector<16xi32>
        %sub3A_516 = arith.subi %get3A_513, %sub3A_515 : vector<16xi32>
        %lt3A_517 = arith.constant 50048 : i32
        %lt3A_518 = vector.broadcast %lt3A_517 : i32 to vector<16xi32>
        %lt3A_519 = arith.cmpi slt, %get3A_513, %lt3A_518 : vector<16xi32>
        %gather3A_520 = tpu.vector_load_idx %arg8[%sub3A_516] masked %lt3A_519 : memref<50048xf32, #tpu.memory_space<vmem>>[vector<16xi32>], vector<16xf32>, vector<16xi1>
        tpu.vector_store_idx %arg11[%add3A_507], %gather3A_520 masked %lt3A_519 : memref<4096xf32, #tpu.memory_space<vmem>>[vector<16xi32>], vector<16xf32>, vector<16xi1>
        %add3A_521 = arith.constant 16 : i32
        %add3A_522 = vector.broadcast %add3A_521 : i32 to vector<16xi32>
        %add3A_523 = arith.addi %add3A_507, %add3A_522 : vector<16xi32>
        %scan3A_524 = arith.constant 7 : i32
        %scan3A_525 = arith.addi %scan3A_414, %scan3A_524 : i32
        %mul3A_526 = arith.constant 16 : i32
        %mul3A_527 = arith.muli %scan3A_525, %mul3A_526 : i32
        %get3A_528 = arith.index_cast %mul3A_527 : i32 to index
        %get3A_529 = tpu.vector_load %arg7[%get3A_528] {strides = array<i32>} : memref<4096xi32, #tpu.memory_space<vmem>>, vector<16xi32>,
        %sub3A_530 = arith.constant 0 : i32
        %sub3A_531 = vector.broadcast %sub3A_530 : i32 to vector<16xi32>
        %sub3A_532 = arith.subi %get3A_529, %sub3A_531 : vector<16xi32>
        %lt3A_533 = arith.constant 50048 : i32
        %lt3A_534 = vector.broadcast %lt3A_533 : i32 to vector<16xi32>
        %lt3A_535 = arith.cmpi slt, %get3A_529, %lt3A_534 : vector<16xi32>
        %gather3A_536 = tpu.vector_load_idx %arg8[%sub3A_532] masked %lt3A_535 : memref<50048xf32, #tpu.memory_space<vmem>>[vector<16xi32>], vector<16xf32>, vector<16xi1>
        tpu.vector_store_idx %arg11[%add3A_523], %gather3A_536 masked %lt3A_535 : memref<4096xf32, #tpu.memory_space<vmem>>[vector<16xi32>], vector<16xf32>, vector<16xi1>
        %add3A_537 = arith.constant 16 : i32
        %add3A_538 = vector.broadcast %add3A_537 : i32 to vector<16xi32>
        %add3A_539 = arith.addi %add3A_523, %add3A_538 : vector<16xi32>
        scf.yield %add3A_539 : vector<16xi32>
      }
      %scan3A_373 = arith.constant 256 : i32
      %convert_element_type3A_374 = arith.extui %lt3A_360 : i1 to i32
      %cond3A_375 = arith.constant 0 : i32
      %cond3A_376 = arith.cmpi ne, %convert_element_type3A_374, %cond3A_375 : i32
      scf.if %cond3A_376 {
        %dma_start3A_414 = arith.constant 0 : i32
        %dma_start3A_415 = tpu.memref_slice %arg3[%rem3A_88, %add3A, %dma_start3A_414] : memref<26x64x100000xf32, #tpu.memory_space<hbm>> -> memref<1x1x50048xf32, #tpu.memory_space<hbm>>
        %dma_start3A_416 = tpu.memref_squeeze %dma_start3A_415 : memref<1x1x50048xf32, #tpu.memory_space<hbm>> -> memref<50048xf32, #tpu.memory_space<hbm>>
        %dma_start3A_417 = arith.constant 0 : i32
        %dma_start3A_418 = tpu.memref_slice %arg3[%rem3A_88, %add3A, %dma_start3A_417] : memref<26x64x100000xf32, #tpu.memory_space<hbm>> -> memref<1x1x50048xf32, #tpu.memory_space<hbm>>
        %dma_start3A_419 = tpu.memref_squeeze %dma_start3A_418 : memref<1x1x50048xf32, #tpu.memory_space<hbm>> -> memref<50048xf32, #tpu.memory_space<hbm>>
        tpu.enqueue_dma source(%dma_start3A_419 : memref<50048xf32, #tpu.memory_space<hbm>>) target(%arg8 : memref<50048xf32, #tpu.memory_space<vmem>>) target_semaphore(%arg12 : memref<!tpu.dma_semaphore, #tpu.memory_space<semaphore_mem>>)
      } else {
      }
      %dma_wait3A_377 = arith.constant 0 : i32
      %dma_wait3A_378 = tpu.memref_slice %arg9[%dma_wait3A_377] : memref<50048xf32, #tpu.memory_space<vmem>> -> memref<49920xf32, #tpu.memory_space<vmem>>
      %dma_wait3A_379 = arith.constant 50048 : i32
      %dma_wait3A_380 = tpu.memref_slice %arg3[%add3A_84, %add3A_356, %dma_wait3A_379] : memref<26x64x100000xf32, #tpu.memory_space<hbm>> -> memref<1x1x49920xf32, #tpu.memory_space<hbm>>
      %dma_wait3A_381 = tpu.memref_squeeze %dma_wait3A_380 : memref<1x1x49920xf32, #tpu.memory_space<hbm>> -> memref<49920xf32, #tpu.memory_space<hbm>>
      %dma_wait3A_382 = arith.constant 0 : i32
      %dma_wait3A_383 = tpu.memref_slice %arg9[%dma_wait3A_382] : memref<50048xf32, #tpu.memory_space<vmem>> -> memref<49920xf32, #tpu.memory_space<vmem>>
      %dma_wait3A_384 = arith.constant 50048 : i32
      %dma_wait3A_385 = tpu.memref_slice %arg3[%add3A_84, %add3A_356, %dma_wait3A_384] : memref<26x64x100000xf32, #tpu.memory_space<hbm>> -> memref<1x1x49920xf32, #tpu.memory_space<hbm>>
      %dma_wait3A_386 = tpu.memref_squeeze %dma_wait3A_385 : memref<1x1x49920xf32, #tpu.memory_space<hbm>> -> memref<49920xf32, #tpu.memory_space<hbm>>
      tpu.wait_dma2 semaphore(%arg13 : memref<!tpu.dma_semaphore, #tpu.memory_space<semaphore_mem>>) src(%dma_wait3A_386 : memref<49920xf32, #tpu.memory_space<hbm>>) dst(%dma_wait3A_383 : memref<49920xf32, #tpu.memory_space<vmem>>)
      %dma_wait3A_387 = arith.constant 49920 : i32
      %dma_wait3A_388 = tpu.memref_slice %arg9[%dma_wait3A_387] : memref<50048xf32, #tpu.memory_space<vmem>> -> memref<128xf32, #tpu.memory_space<vmem>>
      %dma_wait3A_389 = arith.constant 0 : i32
      %dma_wait3A_390 = tpu.memref_slice %arg4[%add3A_84, %add3A_356, %dma_wait3A_389] : memref<26x64x128xf32, #tpu.memory_space<hbm>> -> memref<1x1x128xf32, #tpu.memory_space<hbm>>
      %dma_wait3A_391 = tpu.memref_squeeze %dma_wait3A_390 : memref<1x1x128xf32, #tpu.memory_space<hbm>> -> memref<128xf32, #tpu.memory_space<hbm>>
      %dma_wait3A_392 = arith.constant 49920 : i32
      %dma_wait3A_393 = tpu.memref_slice %arg9[%dma_wait3A_392] : memref<50048xf32, #tpu.memory_space<vmem>> -> memref<128xf32, #tpu.memory_space<vmem>>
      %dma_wait3A_394 = arith.constant 0 : i32
      %dma_wait3A_395 = tpu.memref_slice %arg4[%add3A_84, %add3A_356, %dma_wait3A_394] : memref<26x64x128xf32, #tpu.memory_space<hbm>> -> memref<1x1x128xf32, #tpu.memory_space<hbm>>
      %dma_wait3A_396 = tpu.memref_squeeze %dma_wait3A_395 : memref<1x1x128xf32, #tpu.memory_space<hbm>> -> memref<128xf32, #tpu.memory_space<hbm>>
      tpu.wait_dma2 semaphore(%arg13 : memref<!tpu.dma_semaphore, #tpu.memory_space<semaphore_mem>>) src(%dma_wait3A_396 : memref<128xf32, #tpu.memory_space<hbm>>) dst(%dma_wait3A_393 : memref<128xf32, #tpu.memory_space<vmem>>)
      %iota3A_397 = tpu.iota {dimensions = array<i32: 0>} : vector<16xi32>
      %scan3A_398 = arith.constant 0 : i32
      %scan3A_399 = arith.constant 256 : i32
      %scan3A_400 = arith.addi %scan3A_398, %scan3A_399 : i32
      %scan3A_401 = arith.constant 8 : i32
      %scan3A_402 = scf.for %scan3A_414 = %scan3A_398 to %scan3A_400 step %scan3A_401 iter_args(%scan3A_415 = %iota3A_397) -> (vector<16xi32>)  : i32 {
        %mul3A_416 = arith.constant 16 : i32
        %mul3A_417 = arith.muli %scan3A_414, %mul3A_416 : i32
        %get3A = arith.index_cast %mul3A_417 : i32 to index
        %get3A_418 = tpu.vector_load %arg7[%get3A] {strides = array<i32>} : memref<4096xi32, #tpu.memory_space<vmem>>, vector<16xi32>,
        %sub3A_419 = arith.constant 50048 : i32
        %sub3A_420 = vector.broadcast %sub3A_419 : i32 to vector<16xi32>
        %sub3A_421 = arith.subi %get3A_418, %sub3A_420 : vector<16xi32>
        %ge3A = arith.constant 50048 : i32
        %ge3A_422 = vector.broadcast %ge3A : i32 to vector<16xi32>
        %ge3A_423 = arith.cmpi sge, %get3A_418, %ge3A_422 : vector<16xi32>
        %gather3A = tpu.vector_load_idx %arg9[%sub3A_421] masked %ge3A_423 : memref<50048xf32, #tpu.memory_space<vmem>>[vector<16xi32>], vector<16xf32>, vector<16xi1>
        tpu.vector_store_idx %arg11[%scan3A_415], %gather3A masked %ge3A_423 : memref<4096xf32, #tpu.memory_space<vmem>>[vector<16xi32>], vector<16xf32>, vector<16xi1>
        %add3A_424 = arith.constant 16 : i32
        %add3A_425 = vector.broadcast %add3A_424 : i32 to vector<16xi32>
        %add3A_426 = arith.addi %scan3A_415, %add3A_425 : vector<16xi32>
        %scan3A_427 = arith.constant 1 : i32
        %scan3A_428 = arith.addi %scan3A_414, %scan3A_427 : i32
        %mul3A_429 = arith.constant 16 : i32
        %mul3A_430 = arith.muli %scan3A_428, %mul3A_429 : i32
        %get3A_431 = arith.index_cast %mul3A_430 : i32 to index
        %get3A_432 = tpu.vector_load %arg7[%get3A_431] {strides = array<i32>} : memref<4096xi32, #tpu.memory_space<vmem>>, vector<16xi32>,
        %sub3A_433 = arith.constant 50048 : i32
        %sub3A_434 = vector.broadcast %sub3A_433 : i32 to vector<16xi32>
        %sub3A_435 = arith.subi %get3A_432, %sub3A_434 : vector<16xi32>
        %ge3A_436 = arith.constant 50048 : i32
        %ge3A_437 = vector.broadcast %ge3A_436 : i32 to vector<16xi32>
        %ge3A_438 = arith.cmpi sge, %get3A_432, %ge3A_437 : vector<16xi32>
        %gather3A_439 = tpu.vector_load_idx %arg9[%sub3A_435] masked %ge3A_438 : memref<50048xf32, #tpu.memory_space<vmem>>[vector<16xi32>], vector<16xf32>, vector<16xi1>
        tpu.vector_store_idx %arg11[%add3A_426], %gather3A_439 masked %ge3A_438 : memref<4096xf32, #tpu.memory_space<vmem>>[vector<16xi32>], vector<16xf32>, vector<16xi1>
        %add3A_440 = arith.constant 16 : i32
        %add3A_441 = vector.broadcast %add3A_440 : i32 to vector<16xi32>
        %add3A_442 = arith.addi %add3A_426, %add3A_441 : vector<16xi32>
        %scan3A_443 = arith.constant 2 : i32
        %scan3A_444 = arith.addi %scan3A_414, %scan3A_443 : i32
        %mul3A_445 = arith.constant 16 : i32
        %mul3A_446 = arith.muli %scan3A_444, %mul3A_445 : i32
        %get3A_447 = arith.index_cast %mul3A_446 : i32 to index
        %get3A_448 = tpu.vector_load %arg7[%get3A_447] {strides = array<i32>} : memref<4096xi32, #tpu.memory_space<vmem>>, vector<16xi32>,
        %sub3A_449 = arith.constant 50048 : i32
        %sub3A_450 = vector.broadcast %sub3A_449 : i32 to vector<16xi32>
        %sub3A_451 = arith.subi %get3A_448, %sub3A_450 : vector<16xi32>
        %ge3A_452 = arith.constant 50048 : i32
        %ge3A_453 = vector.broadcast %ge3A_452 : i32 to vector<16xi32>
        %ge3A_454 = arith.cmpi sge, %get3A_448, %ge3A_453 : vector<16xi32>
        %gather3A_455 = tpu.vector_load_idx %arg9[%sub3A_451] masked %ge3A_454 : memref<50048xf32, #tpu.memory_space<vmem>>[vector<16xi32>], vector<16xf32>, vector<16xi1>
        tpu.vector_store_idx %arg11[%add3A_442], %gather3A_455 masked %ge3A_454 : memref<4096xf32, #tpu.memory_space<vmem>>[vector<16xi32>], vector<16xf32>, vector<16xi1>
        %add3A_456 = arith.constant 16 : i32
        %add3A_457 = vector.broadcast %add3A_456 : i32 to vector<16xi32>
        %add3A_458 = arith.addi %add3A_442, %add3A_457 : vector<16xi32>
        %scan3A_459 = arith.constant 3 : i32
        %scan3A_460 = arith.addi %scan3A_414, %scan3A_459 : i32
        %mul3A_461 = arith.constant 16 : i32
        %mul3A_462 = arith.muli %scan3A_460, %mul3A_461 : i32
        %get3A_463 = arith.index_cast %mul3A_462 : i32 to index
        %get3A_464 = tpu.vector_load %arg7[%get3A_463] {strides = array<i32>} : memref<4096xi32, #tpu.memory_space<vmem>>, vector<16xi32>,
        %sub3A_465 = arith.constant 50048 : i32
        %sub3A_466 = vector.broadcast %sub3A_465 : i32 to vector<16xi32>
        %sub3A_467 = arith.subi %get3A_464, %sub3A_466 : vector<16xi32>
        %ge3A_468 = arith.constant 50048 : i32
        %ge3A_469 = vector.broadcast %ge3A_468 : i32 to vector<16xi32>
        %ge3A_470 = arith.cmpi sge, %get3A_464, %ge3A_469 : vector<16xi32>
        %gather3A_471 = tpu.vector_load_idx %arg9[%sub3A_467] masked %ge3A_470 : memref<50048xf32, #tpu.memory_space<vmem>>[vector<16xi32>], vector<16xf32>, vector<16xi1>
        tpu.vector_store_idx %arg11[%add3A_458], %gather3A_471 masked %ge3A_470 : memref<4096xf32, #tpu.memory_space<vmem>>[vector<16xi32>], vector<16xf32>, vector<16xi1>
        %add3A_472 = arith.constant 16 : i32
        %add3A_473 = vector.broadcast %add3A_472 : i32 to vector<16xi32>
        %add3A_474 = arith.addi %add3A_458, %add3A_473 : vector<16xi32>
        %scan3A_475 = arith.constant 4 : i32
        %scan3A_476 = arith.addi %scan3A_414, %scan3A_475 : i32
        %mul3A_477 = arith.constant 16 : i32
        %mul3A_478 = arith.muli %scan3A_476, %mul3A_477 : i32
        %get3A_479 = arith.index_cast %mul3A_478 : i32 to index
        %get3A_480 = tpu.vector_load %arg7[%get3A_479] {strides = array<i32>} : memref<4096xi32, #tpu.memory_space<vmem>>, vector<16xi32>,
        %sub3A_481 = arith.constant 50048 : i32
        %sub3A_482 = vector.broadcast %sub3A_481 : i32 to vector<16xi32>
        %sub3A_483 = arith.subi %get3A_480, %sub3A_482 : vector<16xi32>
        %ge3A_484 = arith.constant 50048 : i32
        %ge3A_485 = vector.broadcast %ge3A_484 : i32 to vector<16xi32>
        %ge3A_486 = arith.cmpi sge, %get3A_480, %ge3A_485 : vector<16xi32>
        %gather3A_487 = tpu.vector_load_idx %arg9[%sub3A_483] masked %ge3A_486 : memref<50048xf32, #tpu.memory_space<vmem>>[vector<16xi32>], vector<16xf32>, vector<16xi1>
        tpu.vector_store_idx %arg11[%add3A_474], %gather3A_487 masked %ge3A_486 : memref<4096xf32, #tpu.memory_space<vmem>>[vector<16xi32>], vector<16xf32>, vector<16xi1>
        %add3A_488 = arith.constant 16 : i32
        %add3A_489 = vector.broadcast %add3A_488 : i32 to vector<16xi32>
        %add3A_490 = arith.addi %add3A_474, %add3A_489 : vector<16xi32>
        %scan3A_491 = arith.constant 5 : i32
        %scan3A_492 = arith.addi %scan3A_414, %scan3A_491 : i32
        %mul3A_493 = arith.constant 16 : i32
        %mul3A_494 = arith.muli %scan3A_492, %mul3A_493 : i32
        %get3A_495 = arith.index_cast %mul3A_494 : i32 to index
        %get3A_496 = tpu.vector_load %arg7[%get3A_495] {strides = array<i32>} : memref<4096xi32, #tpu.memory_space<vmem>>, vector<16xi32>,
        %sub3A_497 = arith.constant 50048 : i32
        %sub3A_498 = vector.broadcast %sub3A_497 : i32 to vector<16xi32>
        %sub3A_499 = arith.subi %get3A_496, %sub3A_498 : vector<16xi32>
        %ge3A_500 = arith.constant 50048 : i32
        %ge3A_501 = vector.broadcast %ge3A_500 : i32 to vector<16xi32>
        %ge3A_502 = arith.cmpi sge, %get3A_496, %ge3A_501 : vector<16xi32>
        %gather3A_503 = tpu.vector_load_idx %arg9[%sub3A_499] masked %ge3A_502 : memref<50048xf32, #tpu.memory_space<vmem>>[vector<16xi32>], vector<16xf32>, vector<16xi1>
        tpu.vector_store_idx %arg11[%add3A_490], %gather3A_503 masked %ge3A_502 : memref<4096xf32, #tpu.memory_space<vmem>>[vector<16xi32>], vector<16xf32>, vector<16xi1>
        %add3A_504 = arith.constant 16 : i32
        %add3A_505 = vector.broadcast %add3A_504 : i32 to vector<16xi32>
        %add3A_506 = arith.addi %add3A_490, %add3A_505 : vector<16xi32>
        %scan3A_507 = arith.constant 6 : i32
        %scan3A_508 = arith.addi %scan3A_414, %scan3A_507 : i32
        %mul3A_509 = arith.constant 16 : i32
        %mul3A_510 = arith.muli %scan3A_508, %mul3A_509 : i32
        %get3A_511 = arith.index_cast %mul3A_510 : i32 to index
        %get3A_512 = tpu.vector_load %arg7[%get3A_511] {strides = array<i32>} : memref<4096xi32, #tpu.memory_space<vmem>>, vector<16xi32>,
        %sub3A_513 = arith.constant 50048 : i32
        %sub3A_514 = vector.broadcast %sub3A_513 : i32 to vector<16xi32>
        %sub3A_515 = arith.subi %get3A_512, %sub3A_514 : vector<16xi32>
        %ge3A_516 = arith.constant 50048 : i32
        %ge3A_517 = vector.broadcast %ge3A_516 : i32 to vector<16xi32>
        %ge3A_518 = arith.cmpi sge, %get3A_512, %ge3A_517 : vector<16xi32>
        %gather3A_519 = tpu.vector_load_idx %arg9[%sub3A_515] masked %ge3A_518 : memref<50048xf32, #tpu.memory_space<vmem>>[vector<16xi32>], vector<16xf32>, vector<16xi1>
        tpu.vector_store_idx %arg11[%add3A_506], %gather3A_519 masked %ge3A_518 : memref<4096xf32, #tpu.memory_space<vmem>>[vector<16xi32>], vector<16xf32>, vector<16xi1>
        %add3A_520 = arith.constant 16 : i32
        %add3A_521 = vector.broadcast %add3A_520 : i32 to vector<16xi32>
        %add3A_522 = arith.addi %add3A_506, %add3A_521 : vector<16xi32>
        %scan3A_523 = arith.constant 7 : i32
        %scan3A_524 = arith.addi %scan3A_414, %scan3A_523 : i32
        %mul3A_525 = arith.constant 16 : i32
        %mul3A_526 = arith.muli %scan3A_524, %mul3A_525 : i32
        %get3A_527 = arith.index_cast %mul3A_526 : i32 to index
        %get3A_528 = tpu.vector_load %arg7[%get3A_527] {strides = array<i32>} : memref<4096xi32, #tpu.memory_space<vmem>>, vector<16xi32>,
        %sub3A_529 = arith.constant 50048 : i32
        %sub3A_530 = vector.broadcast %sub3A_529 : i32 to vector<16xi32>
        %sub3A_531 = arith.subi %get3A_528, %sub3A_530 : vector<16xi32>
        %ge3A_532 = arith.constant 50048 : i32
        %ge3A_533 = vector.broadcast %ge3A_532 : i32 to vector<16xi32>
        %ge3A_534 = arith.cmpi sge, %get3A_528, %ge3A_533 : vector<16xi32>
        %gather3A_535 = tpu.vector_load_idx %arg9[%sub3A_531] masked %ge3A_534 : memref<50048xf32, #tpu.memory_space<vmem>>[vector<16xi32>], vector<16xf32>, vector<16xi1>
        tpu.vector_store_idx %arg11[%add3A_522], %gather3A_535 masked %ge3A_534 : memref<4096xf32, #tpu.memory_space<vmem>>[vector<16xi32>], vector<16xf32>, vector<16xi1>
        %add3A_536 = arith.constant 16 : i32
        %add3A_537 = vector.broadcast %add3A_536 : i32 to vector<16xi32>
        %add3A_538 = arith.addi %add3A_522, %add3A_537 : vector<16xi32>
        scf.yield %add3A_538 : vector<16xi32>
      }
      %scan3A_403 = arith.constant 256 : i32
      %convert_element_type3A_404 = arith.extui %lt3A_360 : i1 to i32
      %cond3A_405 = arith.constant 0 : i32
      %cond3A_406 = arith.cmpi ne, %convert_element_type3A_404, %cond3A_405 : i32
      scf.if %cond3A_406 {
        %dma_start3A_414 = arith.constant 0 : i32
        %dma_start3A_415 = tpu.memref_slice %arg9[%dma_start3A_414] : memref<50048xf32, #tpu.memory_space<vmem>> -> memref<49920xf32, #tpu.memory_space<vmem>>
        %dma_start3A_416 = arith.constant 50048 : i32
        %dma_start3A_417 = tpu.memref_slice %arg3[%rem3A_88, %add3A, %dma_start3A_416] : memref<26x64x100000xf32, #tpu.memory_space<hbm>> -> memref<1x1x49920xf32, #tpu.memory_space<hbm>>
        %dma_start3A_418 = tpu.memref_squeeze %dma_start3A_417 : memref<1x1x49920xf32, #tpu.memory_space<hbm>> -> memref<49920xf32, #tpu.memory_space<hbm>>
        %dma_start3A_419 = arith.constant 0 : i32
        %dma_start3A_420 = tpu.memref_slice %arg9[%dma_start3A_419] : memref<50048xf32, #tpu.memory_space<vmem>> -> memref<49920xf32, #tpu.memory_space<vmem>>
        %dma_start3A_421 = arith.constant 50048 : i32
        %dma_start3A_422 = tpu.memref_slice %arg3[%rem3A_88, %add3A, %dma_start3A_421] : memref<26x64x100000xf32, #tpu.memory_space<hbm>> -> memref<1x1x49920xf32, #tpu.memory_space<hbm>>
        %dma_start3A_423 = tpu.memref_squeeze %dma_start3A_422 : memref<1x1x49920xf32, #tpu.memory_space<hbm>> -> memref<49920xf32, #tpu.memory_space<hbm>>
        tpu.enqueue_dma source(%dma_start3A_423 : memref<49920xf32, #tpu.memory_space<hbm>>) target(%dma_start3A_420 : memref<49920xf32, #tpu.memory_space<vmem>>) target_semaphore(%arg13 : memref<!tpu.dma_semaphore, #tpu.memory_space<semaphore_mem>>)
        %dma_start3A_424 = arith.constant 49920 : i32
        %dma_start3A_425 = tpu.memref_slice %arg9[%dma_start3A_424] : memref<50048xf32, #tpu.memory_space<vmem>> -> memref<128xf32, #tpu.memory_space<vmem>>
        %dma_start3A_426 = arith.constant 0 : i32
        %dma_start3A_427 = tpu.memref_slice %arg4[%rem3A_88, %add3A, %dma_start3A_426] : memref<26x64x128xf32, #tpu.memory_space<hbm>> -> memref<1x1x128xf32, #tpu.memory_space<hbm>>
        %dma_start3A_428 = tpu.memref_squeeze %dma_start3A_427 : memref<1x1x128xf32, #tpu.memory_space<hbm>> -> memref<128xf32, #tpu.memory_space<hbm>>
        %dma_start3A_429 = arith.constant 49920 : i32
        %dma_start3A_430 = tpu.memref_slice %arg9[%dma_start3A_429] : memref<50048xf32, #tpu.memory_space<vmem>> -> memref<128xf32, #tpu.memory_space<vmem>>
        %dma_start3A_431 = arith.constant 0 : i32
        %dma_start3A_432 = tpu.memref_slice %arg4[%rem3A_88, %add3A, %dma_start3A_431] : memref<26x64x128xf32, #tpu.memory_space<hbm>> -> memref<1x1x128xf32, #tpu.memory_space<hbm>>
        %dma_start3A_433 = tpu.memref_squeeze %dma_start3A_432 : memref<1x1x128xf32, #tpu.memory_space<hbm>> -> memref<128xf32, #tpu.memory_space<hbm>>
        tpu.enqueue_dma source(%dma_start3A_433 : memref<128xf32, #tpu.memory_space<hbm>>) target(%dma_start3A_430 : memref<128xf32, #tpu.memory_space<vmem>>) target_semaphore(%arg13 : memref<!tpu.dma_semaphore, #tpu.memory_space<semaphore_mem>>)
      } else {
      }
      %dma_start3A_407 = arith.constant 0 : i32
      %dma_start3A_408 = tpu.memref_slice %arg5[%add3A_84, %add3A_356, %dma_start3A_407] : memref<26x64x4096xf32, #tpu.memory_space<hbm>> -> memref<1x1x4096xf32, #tpu.memory_space<hbm>>
      %dma_start3A_409 = tpu.memref_squeeze %dma_start3A_408 : memref<1x1x4096xf32, #tpu.memory_space<hbm>> -> memref<4096xf32, #tpu.memory_space<hbm>>
      %dma_start3A_410 = arith.constant 0 : i32
      %dma_start3A_411 = tpu.memref_slice %arg5[%add3A_84, %add3A_356, %dma_start3A_410] : memref<26x64x4096xf32, #tpu.memory_space<hbm>> -> memref<1x1x4096xf32, #tpu.memory_space<hbm>>
      %dma_start3A_412 = tpu.memref_squeeze %dma_start3A_411 : memref<1x1x4096xf32, #tpu.memory_space<hbm>> -> memref<4096xf32, #tpu.memory_space<hbm>>
      tpu.enqueue_dma source(%arg11 : memref<4096xf32, #tpu.memory_space<vmem>>) target(%dma_start3A_412 : memref<4096xf32, #tpu.memory_space<hbm>>) target_semaphore(%arg15 : memref<!tpu.dma_semaphore, #tpu.memory_space<semaphore_mem>>)
      %scan3A_413 = arith.constant 0 : i32
      scf.yield %scan3A_413 : i32
    }
    %scan3A_62 = arith.constant 13 : i32
    %dma_wait3A = arith.constant 0 : i32
    %dma_wait3A_63 = arith.constant 0 : i32
    %dma_wait3A_64 = tpu.memref_slice %arg5[%dma_wait3A, %add3A, %dma_wait3A_63] : memref<26x64x4096xf32, #tpu.memory_space<hbm>> -> memref<1x1x4096xf32, #tpu.memory_space<hbm>>
    %dma_wait3A_65 = tpu.memref_squeeze %dma_wait3A_64 : memref<1x1x4096xf32, #tpu.memory_space<hbm>> -> memref<4096xf32, #tpu.memory_space<hbm>>
    %dma_wait3A_66 = arith.constant 0 : i32
    %dma_wait3A_67 = tpu.memref_slice %arg5[%dma_wait3A, %add3A, %dma_wait3A_66] : memref<26x64x4096xf32, #tpu.memory_space<hbm>> -> memref<1x1x4096xf32, #tpu.memory_space<hbm>>
    %dma_wait3A_68 = tpu.memref_squeeze %dma_wait3A_67 : memref<1x1x4096xf32, #tpu.memory_space<hbm>> -> memref<4096xf32, #tpu.memory_space<hbm>>
    tpu.wait_dma2 semaphore(%arg15 : memref<!tpu.dma_semaphore, #tpu.memory_space<semaphore_mem>>) src(%arg10 : memref<4096xf32, #tpu.memory_space<vmem>>) dst(%dma_wait3A_68 : memref<4096xf32, #tpu.memory_space<hbm>>)
    %dma_wait3A_69 = arith.constant 0 : i32
    %dma_wait3A_70 = arith.constant 0 : i32
    %dma_wait3A_71 = tpu.memref_slice %arg5[%dma_wait3A_69, %add3A, %dma_wait3A_70] : memref<26x64x4096xf32, #tpu.memory_space<hbm>> -> memref<1x1x4096xf32, #tpu.memory_space<hbm>>
    %dma_wait3A_72 = tpu.memref_squeeze %dma_wait3A_71 : memref<1x1x4096xf32, #tpu.memory_space<hbm>> -> memref<4096xf32, #tpu.memory_space<hbm>>
    %dma_wait3A_73 = arith.constant 0 : i32
    %dma_wait3A_74 = tpu.memref_slice %arg5[%dma_wait3A_69, %add3A, %dma_wait3A_73] : memref<26x64x4096xf32, #tpu.memory_space<hbm>> -> memref<1x1x4096xf32, #tpu.memory_space<hbm>>
    %dma_wait3A_75 = tpu.memref_squeeze %dma_wait3A_74 : memref<1x1x4096xf32, #tpu.memory_space<hbm>> -> memref<4096xf32, #tpu.memory_space<hbm>>
    tpu.wait_dma2 semaphore(%arg15 : memref<!tpu.dma_semaphore, #tpu.memory_space<semaphore_mem>>) src(%arg11 : memref<4096xf32, #tpu.memory_space<vmem>>) dst(%dma_wait3A_75 : memref<4096xf32, #tpu.memory_space<hbm>>)
    return
  }
}

</mosaic_0001>

<sc_bundles>
// kernel: _emb2.3.cloned.1.call-start
scs
__scs_entry_jumppad:
0x0: {  	(pc) =	sbr.rel $0x88, $3  }
0x1: {  	(tag) =	ssettag $0x0;
	lr =	simm.s32 $0x1  }
0x2: {  	[smem:$0x3F9E] =	sst lr;
	_ =	strace $0xD0000000  }
0x3: {  	_ = 	snop  }
0x4: {  	_ = 	snop  }
0x5: {  	_ = 	snop  }
0x6: {  	_ = 	snop  }
0x7: {  	_ = 	snop  }
__scs_overlays_trampoline_lowered:
0x8: {  	[smem:$0x3FAD] =	sst s0  }
0x9: {  	[smem:$0x3FAE] =	sst s1  }
0xa: {  	[smem:$0x3FAF] =	sst s2  }
0xb: {  	[smem:$0x3FB0] =	sst s3  }
0xc: {  	[smem:$0x3FB1] =	sst s4  }
0xd: {  	[smem:$0x3FB2] =	sst s5  }
0xe: {  	[smem:$0x3FB3] =	sst s6  }
0xf: {  	[smem:$0x3FB4] =	sst s7  }
0x10: {  	[smem:$0x3FB5] =	sst s8  }
0x11: {  	[smem:$0x3FB6] =	sst s9;
	s0 =	simm.s32 @!p0 $0x0  }
0x12: {  	s1 =	sld [smem:$0x3F9C];
	s0 =	simm.s32 @p0 $0x1  }
0x13: {  	[smem:$0x3FB7] =	sst s0;
	s0 =	simm.s32 @!p1 $0x0  }
0x14: {  	s2 =	sld [smem:$0x3F9B];
	s0 =	simm.s32 @p1 $0x1  }
0x15: {  	[smem:$0x3FB8] =	sst s0;
	s0 =	simm.s32 @!p2 $0x0  }
0x16: {  	s3 =	sld [smem:$0x3FDB];
	s0 =	simm.s32 @p2 $0x1  }
0x17: {  	s4 =	simm.s32 $0x1BF5;
	[smem:$0x3FBA] =	sst s0  }
0x18: {  	s0 =	sld [smem:$0x3F9D];
	_ =	swait.ge [sflag:s4], $0x0  }
0x19: {  	s7 =	sld [smem:$0x3F9E]  }
0x1a: {  	s8 =	sadd.s32 $0xFFFFE003, lr  }
0x1b: {  	s9 =	sadd.s32 $0xFFFFFEF7, lr;
	s5 =	simm.s32 $0xFFFFFFFF;
	p2 =	slt.u32 s8, $0xFFFFF086  }
0x1c: {  	p1 =	slt.u32 s9, $0xF7A;
	s5 =	simm.s32 @!p2 $0x0  }
0x1d: {  	s5 =	simm.s32 @p1 $0x1;
	p0 =	seq.s32 s7, s2  }
0x1e: {  	s7 =	smul.u32 @!p0 $0xF7A, s2;
	p2 =	seq.s32 @!p0 s5, $0x0  }
0x1f: {  	s9 =	smul.u32 $0xF7A, s1;
	s8 =	simm.s32 @!p0 $0x1BF5;
	p2 =	por !p2, p0  }
0x20: {  	[sflag:s8] =	ssyncset.s32 @!p0 $0xFFFFF086;
	s6 =	sadd.s32 @!p0 s3, s7;
	s7 =	simm.s32 @!p0 $0x108  }
0x21: {  	s3 =	sadd.s32 s3, s9;
	s6 =	sadd.s32 @!p0 $0x88, s6;
	s7 =	simm.s32 @p2 $0x1082  }
0x22: {  	[simem:s7], [sflag:s8] =	dma.local @!p0 [hbm:s6], $0xF7A  }
0x23: {  	s9 =	sor.u32 $0xD0000000, s2;
	s6 =	simm.s32 $0x108;
	_ =	swait.ge @!p0 [sflag:s8], $0x0  }
0x24: {  	s3 =	sadd.s32 $0x88, s3;
	s6 =	simm.s32 @!p1 $0x1082;
	[sflag:s4] =	ssyncset.s32 $0xFFFFF086  }
0x25: {  	[simem:s6], [sflag:s4] =	dma.local [hbm:s3], $0xF7A  }
0x26: {  	[smem:$0x3F9E] =	sst s1;
	(tag) =	ssettag s2;
	_ =	strace s9  }
0x27: {  	s1 =	sld [smem:$0x3FAE]  }
0x28: {  	s2 =	sld [smem:$0x3FAF]  }
0x29: {  	s4 =	sld [smem:$0x3FB1]  }
0x2a: {  	p0 =	seq.s32 s5, $0x0;
	s5 =	sld [smem:$0x3FB2]  }
0x2b: {  	s6 =	sld [smem:$0x3FB3]  }
0x2c: {  	s7 =	sld [smem:$0x3FB4]  }
0x2d: {  	s3 =	simm.s32 $0x108;
	s8 =	sld [smem:$0x3FB5]  }
0x2e: {  	s3 =	simm.s32 @!p0 $0x1082;
	s9 =	sld [smem:$0x3FB6]  }
0x2f: {  	lr =	sadd.s32 s0, s3;
	s0 =	sld [smem:$0x3FAD]  }
0x30: {  	s3 =	sld [smem:$0x3FB0]  }
0x31: {  	[smem:$0x3FB9] =	sst s10  }
0x32: {  	s10 =	sld [smem:$0x3FB7];
	_ =	sdelay $0x3  }
0x33: {  	p0 =	seq.s32 s10, $0x1;
	s10 =	sld [smem:$0x3FB9];
	_ =	sdelay $0x3  }
0x34: {  	[smem:$0x3FB9] =	sst s10  }
0x35: {  	s10 =	sld [smem:$0x3FB8];
	_ =	sdelay $0x3  }
0x36: {  	p1 =	seq.s32 s10, $0x1;
	s10 =	sld [smem:$0x3FB9];
	_ =	sdelay $0x3  }
0x37: {  	[smem:$0x3FB9] =	sst s10  }
0x38: {  	s10 =	sld [smem:$0x3FBA]  }
0x39: {  	_ = 	snop;
	(pc) =	sbr.ind lr, $3  }
0x3a: {  	_ = 	snop  }
0x3b: {  	_ = 	snop  }
0x3c: {  	p2 =	seq.s32 s10, $0x1;
	s10 =	sld [smem:$0x3FB9]  }
0x3d: {  	_ =	shalt  }
0x3e: {  	_ =	shalt  }
0x3f: {  	_ =	shalt  }
0x40: {  	_ =	shalt  }
0x41: {  	_ =	shalt  }
0x42: {  	_ =	shalt  }
0x43: {  	_ =	shalt  }
0x44: {  	_ =	shalt  }
0x45: {  	_ =	shalt  }
0x46: {  	_ =	shalt  }
0x47: {  	_ =	shalt  }
0x48: {  	_ =	shalt  }
0x49: {  	_ =	shalt  }
0x4a: {  	_ =	shalt  }
0x4b: {  	_ =	shalt  }
0x4c: {  	_ =	shalt  }
0x4d: {  	_ =	shalt  }
0x4e: {  	_ =	shalt  }
0x4f: {  	_ =	shalt  }
0x50: {  	_ =	shalt  }
0x51: {  	_ =	shalt  }
0x52: {  	_ =	shalt  }
0x53: {  	_ =	shalt  }
0x54: {  	_ =	shalt  }
0x55: {  	_ =	shalt  }
0x56: {  	_ =	shalt  }
0x57: {  	_ =	shalt  }
0x58: {  	_ =	shalt  }
0x59: {  	_ =	shalt  }
0x5a: {  	_ =	shalt  }
0x5b: {  	_ =	shalt  }
0x5c: {  	_ =	shalt  }
0x5d: {  	_ =	shalt  }
0x5e: {  	_ =	shalt  }
0x5f: {  	_ =	shalt  }
0x60: {  	_ =	shalt  }
0x61: {  	_ =	shalt  }
0x62: {  	_ =	shalt  }
0x63: {  	_ =	shalt  }
0x64: {  	_ =	shalt  }
0x65: {  	_ =	shalt  }
0x66: {  	_ =	shalt  }
0x67: {  	_ =	shalt  }
0x68: {  	_ =	shalt  }
0x69: {  	_ =	shalt  }
0x6a: {  	_ =	shalt  }
0x6b: {  	_ =	shalt  }
0x6c: {  	_ =	shalt  }
0x6d: {  	_ =	shalt  }
0x6e: {  	_ =	shalt  }
0x6f: {  	_ =	shalt  }
0x70: {  	_ =	shalt  }
0x71: {  	_ =	shalt  }
0x72: {  	_ =	shalt  }
0x73: {  	_ =	shalt  }
0x74: {  	_ =	shalt  }
0x75: {  	_ =	shalt  }
0x76: {  	_ =	shalt  }
0x77: {  	_ =	shalt  }
0x78: {  	_ =	shalt  }
0x79: {  	_ =	shalt  }
0x7a: {  	_ =	shalt  }
0x7b: {  	_ =	shalt  }
0x7c: {  	_ =	shalt  }
0x7d: {  	_ =	shalt  }
0x7e: {  	_ =	shalt  }
0x7f: {  	_ =	shalt  }
0x80: {  	_ =	shalt  }
0x81: {  	_ =	shalt  }
0x82: {  	_ =	shalt  }
0x83: {  	_ =	shalt  }
0x84: {  	_ =	shalt  }
0x85: {  	_ =	shalt  }
0x86: {  	_ =	shalt  }
0x87: {  	_ =	shalt  }
.Lfunc_end0:
.L_simem_size_0:
called_computation_lowered:
.L_overlay_start_0:
0x88: {  	s2 =	sld [smem:$0x3FD9]  }
0x89: {  	s3 =	sld [smem:$0x3FFE];
	_ =	sdelay $0x1  }
0x8a: {  	s1 =	srdreg.scid  }
0x8b: {  	s0 =	sand.u32 $0x1, s1  }
0x8c: {  	s18 =	sshll.u32 s0, $0xA;
	s2 =	sadd.s32 s3, s2  }
0x8d: {  	s2 =	sadd.s32 s2, s18  }
0x8e: {  	[smem:$0x3FC5] =	sst s2  }
0x8f: {  	_ = 	snop  }
0x90: {  	s2 =	sld [smem:$0x3FC9]  }
0x91: {  	s19 =	sld [smem:$0x3FC8]  }
0x92: {  	s4 =	sld [smem:$0x3FC7]  }
0x93: {  	s5 =	sld [smem:$0x3FD0];
	(tm) =	ssettm $0x1  }
0x94: {  	s6 =	sld [smem:$0x3FFB];
	_ =	sdelay $0x3  }
0x95: {  	_ =	strace s6  }
0x96: {  	s6 =	sld [smem:$0x3FFC];
	_ =	sdelay $0x3  }
0x97: {  	_ =	strace s6  }
0x98: {  	s6 =	sld [smem:$0x3FFD];
	_ =	sdelay $0x3  }
0x99: {  	_ =	strace s6  }
0x9a: {  	_ =	strace $0x8FFFFFFF  }
0x9b: {  	s20 =	sld [smem:$0x3FDB];
	_ =	sdelay $0x1  }
0x9c: {  	s7 =	simm.s32 $_scs_section_size  }
0x9d: {  	s8 =	simm.s32 $_size__tile_overlayer_lowered;
	s9 =	simm.s32 $_tile_overlayer_lowered  }
0x9e: {  	s23 =	simm.s32 $0x1BFF;
	s22 =	sshll.u32 s9, $0x1;
	s6 =	sadd.s32 s7, s20  }
0x9f: {  	s10 =	simm.s32 $0x0;
	s21 =	sshll.u32 s8, $0x1;
	s8 =	sadd.s32 s22, s6  }
0xa0: {  	[timem:s10], [sflag:s23] =	dma.local [hbm:s8], s21  }
0xa1: {  	_ =	swait.ge [sflag:s23], s21  }
0xa2: {  	s7 =	ssub.s32 $0x0, s21;
	[sflag:s23] =	ssyncset.done $0x0  }
0xa3: {  	[sflag:s23] =	ssyncadd.s32 s7;
	_ =	sdelay $0x1  }
0xa4: {  	s24 =	simm.s32 $0x1B8B  }
0xa5: {  	_ =	swait.ge [sflag:s24], $0x1  }
0xa6: {  	[sflag:s24] =	ssyncset.done $0x0  }
0xa7: {  	s25 =	simm.s32 $0x1B8E;
	[sflag:s24] =	ssyncadd.s32 $0xFFFFFFFF  }
0xa8: {  	s26 =	simm.s32 $execute0_lowered;
	[smem:$0x3FD2] =	sst s25  }
0xa9: {  	s7 =	sshll.u32 s26, $0x1;
	_ =	strace $0x80000046;
	[dreg:$0x1] =	wrdreg $0xFFFFFFFF  }
0xaa: {  	s28 =	simm.s32 $_size_execute0_lowered;
	s6 =	sadd.s32 s6, s7;
	[dreg:$0x0] =	wrdreg $0x0  }
0xab: {  	s7 =	sshll.u32 s28, $0x1;
	[dreg:$0x2] =	wrdreg s6  }
0xac: {  	[dreg:$0x3] =	wrdreg s7  }
0xad: {  	[dreg:$0x4] =	wrdreg $0xC0  }
0xae: {  	_ =	task [dreg:s10], $0x5FFFF  }
0xaf: {  	[dreg:$0x1] =	wrdreg $0xFFFFFFFF  }
0xb0: {  	[dreg:$0x0] =	wrdreg $0x60  }
0xb1: {  	[dreg:$0x2] =	wrdreg s2  }
0xb2: {  	[dreg:$0x3] =	wrdreg s19  }
0xb3: {  	[dreg:$0x4] =	wrdreg s4  }
0xb4: {  	[dreg:$0x5] =	wrdreg s5  }
0xb5: {  	[dreg:$0x6] =	wrdreg $0x9  }
0xb6: {  	_ =	task.clear_ibuf [dreg:s10], $0x7FFFF;
	_ =	strace $0x90000046  }
0xb7: {  	s29 =	simm.s32 $0x9;
	_ =	strace $0x80000048  }
0xb8: {  	_ =	swait.ge [sflag:s29], $0x1  }
0xb9: {  	[sflag:s29] =	ssyncadd.s32 $0xFFFFFFFF  }
0xba: {  	_ =	strace $0x90000048  }
0xbb: {  	_ =	sfence  }
0xbc: {  	s30 =	sld [smem:$0x0];
	_ =	sdelay $0x2  }
0xbd: {  	s31 =	sshll.u32 s1, $0xD;
	s1 =	sshrl.u32 s1, $0x2  }
0xbe: {  	s3 =	sand.u32 $0x4000, s31;
	s1 =	sadd.s32 s1, s30  }
0xbf: {  	s0 =	sor.u32 s3, s0;
	s1 =	sshll.u32 s1, $0x11  }
0xc0: {  	s0 =	sor.u32 s1, s0  }
0xc1: {  	s0 =	sadd.s32 $0x8F2B, s0  }
0xc2: {  	[sflag:s0] =	ssyncadd.remote.s32 $0x1  }
0xc3: {  	_ =	sfence.sel $0xFFFF  }
0xc4: {  	[dreg:$0x0] =	wrdreg $0xFFFFFFFF;
	(pc) =	sbr.abs _section_cstart, $3  }
0xc5: {  	[dreg:$0x1] =	wrdreg $0xFFFFFFFF  }
0xc6: {  	_ =	task.clear_ibuf [dreg:s10], $0x2FFFF;
	_ =	strace $0x9FFFFFFF  }
0xc7: {  	(tm) =	ssettm $0x7FFFFFFF  }
tec
execute0_lowered:
.L_overlay_start_1:
0x0: {  	(tag) =	ssettag $0x1  }
0x1: {  	s21 =	rddreg [dreg:$0x0]  }
0x2: {  	s7 =	stileid.u32;
	s2 =	rddreg [dreg:$0x1]  }
0x3: {  	s0 =	srdreg.scid;
	s4 =	rddreg [dreg:$0x2]  }
0x4: {  	s5 =	rddreg [dreg:$0x3];
	s10 =	simm.s32 $0x0;
	s29 =	simm.s32 $0x2  }
0x5: {  	s30 =	simm.s32 $0x3;
	s28 =	simm.s32 $0x0;
	s1 =	smul.u32 $0xD, s7  }
0x6: {  	s0 =	sand.u32 $0x1, s0;
	s6 =	sshrl.u32 s7, $0x2;
	s7 =	sshll.u32 s7, $0x8  }
0x7: {  	[smem:$0x7FF] =	sst s10;
	s10 =	simm.s32 $0x1B700;
	s3 =	smul.u32 $0xC, s0  }
0x8: {  	s11 =	smul.u32 $0xC3800, s6;
	s9 =	sshll.u32 s0, $0x7;
	s0 =	ssub.s32 $0x2, s0  }
0x9: {  	_ =	strace $0x80000047;
	s15 =	sshll.u32 s6, $0xA;
	s23 =	sor.u32 $0x4, s6  }
0xa: {  	s25 =	sshll.u32 s6, $0xF;
	s1 =	sshrl.u32 s1, $0x3;
	s13 =	sshrl.u32 s0, $0x1  }
0xb: {  	s6 =	simm.s32 $0x0;
	s1 =	sand.u32 $0x1E, s1;
	s0 =	ssub.s32 s0, s13  }
0xc: {  	[dreg:$0x6] =	wrdreg s11;
	s1 =	sadd.s32 s3, s1;
	s0 =	smax.u32 s0, $0x1  }
0xd: {  	s26 =	sshll.u32 s23, $0xA;
	s3 =	sadd.s32 $0xFFFFFFE6, s1;
	[dreg:$0xd] =	wrdreg s0  }
0xe: {  	s0 =	simm.s32 $0x1A700;
	s8 =	smin.u32 s1, s3;
	s1 =	sand.u32 $0x300, s7  }
0xf: {  	s3 =	smul.u32 $0x61C000, s8;
	s9 =	sor.u32 s9, s1;
	s16 =	sshll.u32 s8, $0xD  }
0x10: {  	s19 =	sshll.u32 s8, $0x4;
	[dreg:$0x5] =	wrdreg s8;
	s20 =	sshll.u32 s8, $0x9  }
0x11: {  	s17 =	sor.u32 s15, s16;
	s22 =	sand.u32 $0x3000, s20;
	s24 =	sor.u32 s9, s11  }
0x12: {  	s16 =	smul.u32 $0xC3800, s23;
	s20 =	sor.u32 s26, s9;
	s26 =	simm.s32 $0xE380  }
0x13: {  	s12 =	sadd.s32 s11, s3;
	s18 =	sor.u32 s9, s17;
	s17 =	sor.u32 s25, s9  }
0x14: {  	[dreg:$0xb] =	wrdreg s24;
	s31 =	sadd.s32 $0x61C00, s24;
	s1 =	sor.u32 s9, s12  }
0x15: {  	s24 =	simm.s32 $0x400;
	s14 =	sshrl.u32 s1, $0x3;
	s1 =	sadd.s32 $0x61C00, s1  }
0x16: {  	s25 =	simm.s32 $0x2000;
	s3 =	sadd.s32 s2, s14;
	s1 =	sshrl.u32 s1, $0x3  }
0x17: {  	s11 =	simm.s32 $0x4;
	[dreg:$0x7] =	wrdreg s3;
	s1 =	sadd.s32 s2, s1  }
0x18: {  	s3 =	sand.u32 $0x60, s19;
	[dreg:$0x8] =	wrdreg s1;
	s1 =	sshrl.u32 s18, $0x3  }
0x19: {  	[dreg:$0xc] =	wrdreg s31;
	s3 =	sadd.s32 s21, s3;
	s1 =	sadd.s32 s4, s1  }
0x1a: {  	s14 =	sor.u32 $0x61C00, s9;
	[dreg:$0x9] =	wrdreg s1;
	s1 =	sadd.s32 s22, s3  }
0x1b: {  	s18 =	sor.u32 s15, s9;
	[dreg:$0xa] =	wrdreg s1;
	s1 =	sshll.u32 s23, $0xF  }
0x1c: {  	s3 =	simm.s32 $0x1;
	s23 =	simm.s32 $0x80;
	s19 =	sor.u32 s1, s9  }
.LBB2_1:
0x1d: {  	[dreg:$0xe] =	wrdreg s6  }
0x1e: {  	s1 =	rddreg [dreg:$0x7]  }
0x1f: {  	[tilespmem:s25], [sflag:$0x1] =	stream.strided.gather [hbm4b:s1+s23], $0xC380, s24, s23, $0x38;
	[tilespmem:$0x1C700] =	vst v63  }
0x20: {  	s13 =	rddreg [dreg:$0x8]  }
0x21: {  	[tilespmem:s26], [sflag:$0x2] =	stream.strided.gather [hbm4b:s13+s23], $0xC300, s24, s23, $0x38;
	[tilespmem:$0x1C700] =	vst v63  }
0x22: {  	s15 =	simm.s32 $0x0;
	s22 =	rddreg [dreg:$0x9];
	s7 =	simm.s32 $0x1A680  }
0x23: {  	[tilespmem:s7], [sflag:$0x2] =	stream.linear.gather [hbm4b:s22+s15], $0x80, $0x38;
	[tilespmem:$0x1C700] =	vst v63  }
0x24: {  	s31 =	rddreg [dreg:$0xa];
	s12 =	simm.s32 $0x0  }
0x25: {  	[tilespmem:s15], [sflag:$0x3] =	stream.strided.gather [hbm4b:s31+s23], $0x1000, s24, s23, $0x38;
	[tilespmem:$0x1C700] =	vst v63  }
.LBB2_2:
0x26: {  	s1 =	sshll.u32 s12, $0x1;
	s6 =	rddreg [dreg:$0x5]  }
0x27: {  	s1 =	sadd.s32 s6, s1  }
0x28: {  	s6 =	smulhi.u32 $0x4EC4EC4F, s1;
	_ =	sdelay $0x1  }
0x29: {  	s6 =	sshrl.u32 s6, $0x3  }
0x2a: {  	s6 =	smul.u32 $0x1A, s6;
	_ =	sdelay $0x1  }
0x2b: {  	s31 =	ssub.s32 s1, s6  }
0x2c: {  	_ =	swait.ge [sflag:s30], $0x1000;
	s22 =	sor.u32 $0x1, s31;
	s1 =	sshll.u32 s31, $0x9  }
0x2d: {  	s15 =	simm.s32 $0x1000;
	s1 =	sand.u32 $0x3000, s1;
	s13 =	sshll.u32 s22, $0x4  }
0x2e: {  	[sflag:s30] =	ssyncset.done $0x0;
	s6 =	sand.u32 $0x70, s13;
	s1 =	sadd.s32 s21, s1  }
0x2f: {  	p0 =	seq.s32 s12, $0x0;
	[sflag:s30] =	ssyncadd.s32 $0xFFFFF000;
	s1 =	sadd.s32 s6, s1  }
0x30: {  	[tilespmem:s15], [sflag:$0x3] =	stream.strided.gather [hbm4b:s1+s23], $0x1000, s24, s23, $0x38;
	[tilespmem:$0x1C700] =	vst v63  }
0x31: {  	s1 =	simm.s32 @!p0 $0x4  }
0x32: {  	_ =	swait.ge @!p0 [sflag:s1], $0x1000  }
0x33: {  	[sflag:s1] =	ssyncset.done @!p0 $0x0  }
0x34: {  	p1 =	slt.u32 s31, $0x18;
	s6 =	simm.s32 $0x2;
	[sflag:s1] =	ssyncadd.s32 @!p0 $0xFFFFF000  }
0x35: {  	s6 =	simm.s32 @!p1 $0xFFFFFFE8;
	_ =	swait.ge [sflag:s3], $0xC380  }
0x36: {  	s13 =	sadd.s32 s31, s6;
	[sflag:s3] =	ssyncset.done $0x0  }
0x37: {  	v0 =	vlaneseq.u32;
	s6 =	simm.s32 $0x40;
	s1 =	simm.s32 $0xFFFFFFF8;
	[sflag:s3] =	ssyncadd.s32 $0xFFFF3C80  }
.LBB2_3:
0x38: {  	v1 =	vld [tilespmem:s6+$0xFFFFFFC0];
	_ =	sdelay $0x4  }
0x39: {  	vm0 =	vlt.s32 v1, $0xC380;
	_ =	sdelay $0x5  }
0x3a: {  	v1 =	vld.idx.msk [tilespmem:v1+s25+$0x0], vm0;
	_ =	sdelay $0x4  }
0x3b: {  	[tilespmem:v0+s0+$0x0] =	vst.idx.msk vm0, v1  }
0x3c: {  	v1 =	vld [tilespmem:s6+$0xFFFFFFD0];
	_ =	sdelay $0x4  }
0x3d: {  	vm9 =	vlt.s32 v1, $0xC380;
	_ =	sdelay $0x5  }
0x3e: {  	v2 =	vadd.s32 $0x10, v0;
	v1 =	vld.idx.msk [tilespmem:v1+s25+$0x0], vm9;
	_ =	sdelay $0x4  }
0x3f: {  	[tilespmem:v2+s0+$0x0] =	vst.idx.msk vm9, v1  }
0x40: {  	v1 =	vld [tilespmem:s6+$0xFFFFFFE0];
	_ =	sdelay $0x4  }
0x41: {  	vm10 =	vlt.s32 v1, $0xC380;
	_ =	sdelay $0x5  }
0x42: {  	v2 =	vadd.s32 $0x20, v0;
	v1 =	vld.idx.msk [tilespmem:v1+s25+$0x0], vm10;
	_ =	sdelay $0x4  }
0x43: {  	[tilespmem:v2+s0+$0x0] =	vst.idx.msk vm10, v1  }
0x44: {  	v1 =	vld [tilespmem:s6+$0xFFFFFFF0];
	_ =	sdelay $0x4  }
0x45: {  	vm11 =	vlt.s32 v1, $0xC380;
	_ =	sdelay $0x5  }
0x46: {  	v2 =	vadd.s32 $0x30, v0;
	v1 =	vld.idx.msk [tilespmem:v1+s25+$0x0], vm11;
	_ =	sdelay $0x4  }
0x47: {  	[tilespmem:v2+s0+$0x0] =	vst.idx.msk vm11, v1  }
0x48: {  	v1 =	vld [tilespmem:s6+$0x0];
	_ =	sdelay $0x4  }
0x49: {  	vm12 =	vlt.s32 v1, $0xC380;
	_ =	sdelay $0x5  }
0x4a: {  	v2 =	vadd.s32 $0x40, v0;
	v1 =	vld.idx.msk [tilespmem:v1+s25+$0x0], vm12;
	_ =	sdelay $0x4  }
0x4b: {  	[tilespmem:v2+s0+$0x0] =	vst.idx.msk vm12, v1  }
0x4c: {  	v1 =	vld [tilespmem:s6+$0x10];
	_ =	sdelay $0x4  }
0x4d: {  	vm13 =	vlt.s32 v1, $0xC380;
	_ =	sdelay $0x5  }
0x4e: {  	v2 =	vadd.s32 $0x50, v0;
	v1 =	vld.idx.msk [tilespmem:v1+s25+$0x0], vm13;
	_ =	sdelay $0x4  }
0x4f: {  	[tilespmem:v2+s0+$0x0] =	vst.idx.msk vm13, v1  }
0x50: {  	v1 =	vld [tilespmem:s6+$0x20];
	_ =	sdelay $0x4  }
0x51: {  	vm14 =	vlt.s32 v1, $0xC380;
	_ =	sdelay $0x5  }
0x52: {  	v2 =	vadd.s32 $0x60, v0;
	v1 =	vld.idx.msk [tilespmem:v1+s25+$0x0], vm14;
	_ =	sdelay $0x4  }
0x53: {  	[tilespmem:v2+s0+$0x0] =	vst.idx.msk vm14, v1  }
0x54: {  	v1 =	vld [tilespmem:s6+$0x30];
	_ =	sdelay $0x4  }
0x55: {  	vm15 =	vlt.s32 v1, $0xC380;
	_ =	sdelay $0x4  }
0x56: {  	s1 =	sadd.s32 $0x8, s1  }
0x57: {  	p1 =	slt.u32 s1, $0xF8;
	v2 =	vadd.s32 $0x70, v0;
	v1 =	vld.idx.msk [tilespmem:v1+s25+$0x0], vm15  }
.Ltmp0:
0x58: {  	_ = 	snop;
	(pc) =	sbr.rel @p1 .LBB2_3-.Ltmp0, $2  }
0x59: {  	_ =	sdelay $0x2  }
0x5a: {  	v0 =	vadd.s32 $0x80, v0;
	s6 =	sadd.s32 $0x80, s6;
	[tilespmem:v2+s0+$0x0] =	vst.idx.msk vm15, v1  }
0x5b: {  	s1 =	smul.u32 $0x61C000, s31;
	_ =	sdelay $0x1  }
0x5c: {  	s1 =	sadd.s32 s16, s1  }
0x5d: {  	s6 =	sor.u32 s9, s1  }
0x5e: {  	s6 =	sshrl.u32 s6, $0x3  }
0x5f: {  	s6 =	sadd.s32 s2, s6  }
0x60: {  	[tilespmem:s25], [sflag:$0x1] =	stream.strided.gather [hbm4b:s6+s23], $0xC380, s24, s23, $0x38;
	[tilespmem:$0x1C700] =	vst v63  }
0x61: {  	_ =	swait.ge [sflag:s29], $0xC300  }
0x62: {  	[sflag:s29] =	ssyncset.done $0x0  }
0x63: {  	[sflag:s29] =	ssyncadd.s32 $0xFFFF3D00  }
0x64: {  	_ =	swait.ge [sflag:s29], $0x80  }
0x65: {  	[sflag:s29] =	ssyncset.done $0x0  }
0x66: {  	v0 =	vlaneseq.u32;
	s7 =	simm.s32 $0xFFFFFFF8;
	s6 =	simm.s32 $0x40;
	[sflag:s29] =	ssyncadd.s32 $0xFFFFFF80  }
.LBB2_5:
0x67: {  	v1 =	vld [tilespmem:s6+$0xFFFFFFC0];
	_ =	sdelay $0x4  }
0x68: {  	vm0 =	vgt.s32 v1, $0xC37F  }
0x69: {  	v1 =	vadd.s32 $0xFFFF3C80, v1;
	_ =	sdelay $0x4  }
0x6a: {  	v1 =	vld.idx.msk [tilespmem:v1+s26+$0x0], vm0;
	_ =	sdelay $0x4  }
0x6b: {  	[tilespmem:v0+s0+$0x0] =	vst.idx.msk vm0, v1  }
0x6c: {  	v1 =	vld [tilespmem:s6+$0xFFFFFFD0];
	_ =	sdelay $0x4  }
0x6d: {  	vm9 =	vgt.s32 v1, $0xC37F  }
0x6e: {  	v1 =	vadd.s32 $0xFFFF3C80, v1;
	_ =	sdelay $0x4  }
0x6f: {  	v2 =	vadd.s32 $0x10, v0;
	v1 =	vld.idx.msk [tilespmem:v1+s26+$0x0], vm9;
	_ =	sdelay $0x4  }
0x70: {  	[tilespmem:v2+s0+$0x0] =	vst.idx.msk vm9, v1  }
0x71: {  	v1 =	vld [tilespmem:s6+$0xFFFFFFE0];
	_ =	sdelay $0x4  }
0x72: {  	vm10 =	vgt.s32 v1, $0xC37F  }
0x73: {  	v1 =	vadd.s32 $0xFFFF3C80, v1;
	_ =	sdelay $0x4  }
0x74: {  	v2 =	vadd.s32 $0x20, v0;
	v1 =	vld.idx.msk [tilespmem:v1+s26+$0x0], vm10;
	_ =	sdelay $0x4  }
0x75: {  	[tilespmem:v2+s0+$0x0] =	vst.idx.msk vm10, v1  }
0x76: {  	v1 =	vld [tilespmem:s6+$0xFFFFFFF0];
	_ =	sdelay $0x4  }
0x77: {  	vm11 =	vgt.s32 v1, $0xC37F  }
0x78: {  	v1 =	vadd.s32 $0xFFFF3C80, v1;
	_ =	sdelay $0x4  }
0x79: {  	v2 =	vadd.s32 $0x30, v0;
	v1 =	vld.idx.msk [tilespmem:v1+s26+$0x0], vm11;
	_ =	sdelay $0x4  }
0x7a: {  	[tilespmem:v2+s0+$0x0] =	vst.idx.msk vm11, v1  }
0x7b: {  	v1 =	vld [tilespmem:s6+$0x0];
	_ =	sdelay $0x4  }
0x7c: {  	vm12 =	vgt.s32 v1, $0xC37F  }
0x7d: {  	v1 =	vadd.s32 $0xFFFF3C80, v1;
	_ =	sdelay $0x4  }
0x7e: {  	v2 =	vadd.s32 $0x40, v0;
	v1 =	vld.idx.msk [tilespmem:v1+s26+$0x0], vm12;
	_ =	sdelay $0x4  }
0x7f: {  	[tilespmem:v2+s0+$0x0] =	vst.idx.msk vm12, v1  }
0x80: {  	v1 =	vld [tilespmem:s6+$0x10];
	_ =	sdelay $0x4  }
0x81: {  	vm13 =	vgt.s32 v1, $0xC37F  }
0x82: {  	v1 =	vadd.s32 $0xFFFF3C80, v1;
	_ =	sdelay $0x4  }
0x83: {  	v2 =	vadd.s32 $0x50, v0;
	v1 =	vld.idx.msk [tilespmem:v1+s26+$0x0], vm13;
	_ =	sdelay $0x4  }
0x84: {  	[tilespmem:v2+s0+$0x0] =	vst.idx.msk vm13, v1  }
0x85: {  	v1 =	vld [tilespmem:s6+$0x20];
	_ =	sdelay $0x4  }
0x86: {  	vm14 =	vgt.s32 v1, $0xC37F  }
0x87: {  	v1 =	vadd.s32 $0xFFFF3C80, v1;
	_ =	sdelay $0x4  }
0x88: {  	v2 =	vadd.s32 $0x60, v0;
	v1 =	vld.idx.msk [tilespmem:v1+s26+$0x0], vm14;
	_ =	sdelay $0x4  }
0x89: {  	[tilespmem:v2+s0+$0x0] =	vst.idx.msk vm14, v1  }
0x8a: {  	v1 =	vld [tilespmem:s6+$0x30];
	_ =	sdelay $0x4  }
0x8b: {  	vm15 =	vgt.s32 v1, $0xC37F  }
0x8c: {  	v1 =	vadd.s32 $0xFFFF3C80, v1;
	_ =	sdelay $0x3  }
0x8d: {  	s7 =	sadd.s32 $0x8, s7  }
0x8e: {  	p1 =	slt.u32 s7, $0xF8;
	v2 =	vadd.s32 $0x70, v0;
	v1 =	vld.idx.msk [tilespmem:v1+s26+$0x0], vm15  }
.Ltmp1:
0x8f: {  	_ = 	snop;
	(pc) =	sbr.rel @p1 .LBB2_5-.Ltmp1, $2  }
0x90: {  	_ =	sdelay $0x2  }
0x91: {  	v0 =	vadd.s32 $0x80, v0;
	s6 =	sadd.s32 $0x80, s6;
	[tilespmem:v2+s0+$0x0] =	vst.idx.msk vm15, v1  }
0x92: {  	s1 =	sadd.s32 s14, s1  }
0x93: {  	s6 =	sshll.u32 s31, $0xD;
	s1 =	sshrl.u32 s1, $0x3  }
0x94: {  	s8 =	sor.u32 s20, s6;
	s1 =	sadd.s32 s2, s1  }
0x95: {  	[tilespmem:s26], [sflag:$0x2] =	stream.strided.gather [hbm4b:s1+s23], $0xC300, s24, s23, $0x38;
	[tilespmem:$0x1C700] =	vst v63  }
0x96: {  	s7 =	sshll.u32 s31, $0x12;
	s1 =	sshrl.u32 s8, $0x3  }
0x97: {  	s15 =	simm.s32 $0x1A680;
	s31 =	sor.u32 s7, s17;
	s1 =	sadd.s32 s4, s1  }
0x98: {  	[tilespmem:s15], [sflag:$0x2] =	stream.linear.gather [hbm4b:s1+s28], $0x80, $0x38;
	[tilespmem:$0x1C700] =	vst v63  }
0x99: {  	s1 =	sshrl.u32 s31, $0x3  }
0x9a: {  	s1 =	sadd.s32 s5, s1  }
0x9b: {  	[hbm4b:s1+s23] =	stream.strided.scatter [tilespmem:s0], [sflag:$0x4], $0x1000, s24, s23, $0x38;
	[tilespmem:$0x1C700] =	vst v63  }
0x9c: {  	s1 =	simm.s32 @!p0 $0x4  }
0x9d: {  	_ =	swait.ge @!p0 [sflag:s1], $0x1000  }
0x9e: {  	[sflag:s1] =	ssyncset.done @!p0 $0x0  }
0x9f: {  	[sflag:s1] =	ssyncadd.s32 @!p0 $0xFFFFF000  }
0xa0: {  	_ =	swait.ge [sflag:s3], $0xC380  }
0xa1: {  	[sflag:s3] =	ssyncset.done $0x0  }
0xa2: {  	v0 =	vlaneseq.u32;
	s6 =	simm.s32 $0x40;
	s1 =	simm.s32 $0xFFFFFFF8;
	[sflag:s3] =	ssyncadd.s32 $0xFFFF3C80  }
.LBB2_7:
0xa3: {  	v1 =	vld [tilespmem:s6+$0xFFFFFFC0];
	_ =	sdelay $0x4  }
0xa4: {  	vm0 =	vlt.s32 v1, $0xC380;
	_ =	sdelay $0x5  }
0xa5: {  	v1 =	vld.idx.msk [tilespmem:v1+s25+$0x0], vm0;
	_ =	sdelay $0x4  }
0xa6: {  	[tilespmem:v0+s10+$0x0] =	vst.idx.msk vm0, v1  }
0xa7: {  	v1 =	vld [tilespmem:s6+$0xFFFFFFD0];
	_ =	sdelay $0x4  }
0xa8: {  	vm9 =	vlt.s32 v1, $0xC380;
	_ =	sdelay $0x5  }
0xa9: {  	v2 =	vadd.s32 $0x10, v0;
	v1 =	vld.idx.msk [tilespmem:v1+s25+$0x0], vm9;
	_ =	sdelay $0x4  }
0xaa: {  	[tilespmem:v2+s10+$0x0] =	vst.idx.msk vm9, v1  }
0xab: {  	v1 =	vld [tilespmem:s6+$0xFFFFFFE0];
	_ =	sdelay $0x4  }
0xac: {  	vm10 =	vlt.s32 v1, $0xC380;
	_ =	sdelay $0x5  }
0xad: {  	v2 =	vadd.s32 $0x20, v0;
	v1 =	vld.idx.msk [tilespmem:v1+s25+$0x0], vm10;
	_ =	sdelay $0x4  }
0xae: {  	[tilespmem:v2+s10+$0x0] =	vst.idx.msk vm10, v1  }
0xaf: {  	v1 =	vld [tilespmem:s6+$0xFFFFFFF0];
	_ =	sdelay $0x4  }
0xb0: {  	vm11 =	vlt.s32 v1, $0xC380;
	_ =	sdelay $0x5  }
0xb1: {  	v2 =	vadd.s32 $0x30, v0;
	v1 =	vld.idx.msk [tilespmem:v1+s25+$0x0], vm11;
	_ =	sdelay $0x4  }
0xb2: {  	[tilespmem:v2+s10+$0x0] =	vst.idx.msk vm11, v1  }
0xb3: {  	v1 =	vld [tilespmem:s6+$0x0];
	_ =	sdelay $0x4  }
0xb4: {  	vm12 =	vlt.s32 v1, $0xC380;
	_ =	sdelay $0x5  }
0xb5: {  	v2 =	vadd.s32 $0x40, v0;
	v1 =	vld.idx.msk [tilespmem:v1+s25+$0x0], vm12;
	_ =	sdelay $0x4  }
0xb6: {  	[tilespmem:v2+s10+$0x0] =	vst.idx.msk vm12, v1  }
0xb7: {  	v1 =	vld [tilespmem:s6+$0x10];
	_ =	sdelay $0x4  }
0xb8: {  	vm13 =	vlt.s32 v1, $0xC380;
	_ =	sdelay $0x5  }
0xb9: {  	v2 =	vadd.s32 $0x50, v0;
	v1 =	vld.idx.msk [tilespmem:v1+s25+$0x0], vm13;
	_ =	sdelay $0x4  }
0xba: {  	[tilespmem:v2+s10+$0x0] =	vst.idx.msk vm13, v1  }
0xbb: {  	v1 =	vld [tilespmem:s6+$0x20];
	_ =	sdelay $0x4  }
0xbc: {  	vm14 =	vlt.s32 v1, $0xC380;
	_ =	sdelay $0x5  }
0xbd: {  	v2 =	vadd.s32 $0x60, v0;
	v1 =	vld.idx.msk [tilespmem:v1+s25+$0x0], vm14;
	_ =	sdelay $0x4  }
0xbe: {  	[tilespmem:v2+s10+$0x0] =	vst.idx.msk vm14, v1  }
0xbf: {  	v1 =	vld [tilespmem:s6+$0x30];
	_ =	sdelay $0x4  }
0xc0: {  	vm15 =	vlt.s32 v1, $0xC380;
	_ =	sdelay $0x4  }
0xc1: {  	s1 =	sadd.s32 $0x8, s1  }
0xc2: {  	p0 =	slt.u32 s1, $0xF8;
	v2 =	vadd.s32 $0x70, v0;
	v1 =	vld.idx.msk [tilespmem:v1+s25+$0x0], vm15  }
.Ltmp2:
0xc3: {  	_ = 	snop;
	(pc) =	sbr.rel @p0 .LBB2_7-.Ltmp2, $2  }
0xc4: {  	_ =	sdelay $0x2  }
0xc5: {  	v0 =	vadd.s32 $0x80, v0;
	s6 =	sadd.s32 $0x80, s6;
	[tilespmem:v2+s10+$0x0] =	vst.idx.msk vm15, v1  }
0xc6: {  	s31 =	smul.u32 $0x61C000, s22  }
0xc7: {  	s1 =	rddreg [dreg:$0x6]  }
0xc8: {  	s1 =	sadd.s32 s1, s31  }
0xc9: {  	s6 =	sor.u32 s9, s1  }
0xca: {  	s6 =	sshrl.u32 s6, $0x3  }
0xcb: {  	s6 =	sadd.s32 s2, s6  }
0xcc: {  	[tilespmem:s25], [sflag:$0x1] =	stream.strided.gather [hbm4b:s6+s23], $0xC380, s24, s23, $0x38;
	[tilespmem:$0x1C700] =	vst v63  }
0xcd: {  	_ =	swait.ge [sflag:s29], $0xC300  }
0xce: {  	[sflag:s29] =	ssyncset.done $0x0  }
0xcf: {  	[sflag:s29] =	ssyncadd.s32 $0xFFFF3D00  }
0xd0: {  	_ =	swait.ge [sflag:s29], $0x80  }
0xd1: {  	[sflag:s29] =	ssyncset.done $0x0  }
0xd2: {  	v0 =	vlaneseq.u32;
	s15 =	simm.s32 $0x40;
	s6 =	simm.s32 $0xFFFFFFF8;
	[sflag:s29] =	ssyncadd.s32 $0xFFFFFF80  }
.LBB2_9:
0xd3: {  	v1 =	vld [tilespmem:s15+$0xFFFFFFC0];
	_ =	sdelay $0x4  }
0xd4: {  	vm0 =	vgt.s32 v1, $0xC37F  }
0xd5: {  	v1 =	vadd.s32 $0xFFFF3C80, v1;
	_ =	sdelay $0x4  }
0xd6: {  	v1 =	vld.idx.msk [tilespmem:v1+s26+$0x0], vm0;
	_ =	sdelay $0x4  }
0xd7: {  	[tilespmem:v0+s10+$0x0] =	vst.idx.msk vm0, v1  }
0xd8: {  	v1 =	vld [tilespmem:s15+$0xFFFFFFD0];
	_ =	sdelay $0x4  }
0xd9: {  	vm9 =	vgt.s32 v1, $0xC37F  }
0xda: {  	v1 =	vadd.s32 $0xFFFF3C80, v1;
	_ =	sdelay $0x4  }
0xdb: {  	v2 =	vadd.s32 $0x10, v0;
	v1 =	vld.idx.msk [tilespmem:v1+s26+$0x0], vm9;
	_ =	sdelay $0x4  }
0xdc: {  	[tilespmem:v2+s10+$0x0] =	vst.idx.msk vm9, v1  }
0xdd: {  	v1 =	vld [tilespmem:s15+$0xFFFFFFE0];
	_ =	sdelay $0x4  }
0xde: {  	vm10 =	vgt.s32 v1, $0xC37F  }
0xdf: {  	v1 =	vadd.s32 $0xFFFF3C80, v1;
	_ =	sdelay $0x4  }
0xe0: {  	v2 =	vadd.s32 $0x20, v0;
	v1 =	vld.idx.msk [tilespmem:v1+s26+$0x0], vm10;
	_ =	sdelay $0x4  }
0xe1: {  	[tilespmem:v2+s10+$0x0] =	vst.idx.msk vm10, v1  }
0xe2: {  	v1 =	vld [tilespmem:s15+$0xFFFFFFF0];
	_ =	sdelay $0x4  }
0xe3: {  	vm11 =	vgt.s32 v1, $0xC37F  }
0xe4: {  	v1 =	vadd.s32 $0xFFFF3C80, v1;
	_ =	sdelay $0x4  }
0xe5: {  	v2 =	vadd.s32 $0x30, v0;
	v1 =	vld.idx.msk [tilespmem:v1+s26+$0x0], vm11;
	_ =	sdelay $0x4  }
0xe6: {  	[tilespmem:v2+s10+$0x0] =	vst.idx.msk vm11, v1  }
0xe7: {  	v1 =	vld [tilespmem:s15+$0x0];
	_ =	sdelay $0x4  }
0xe8: {  	vm12 =	vgt.s32 v1, $0xC37F  }
0xe9: {  	v1 =	vadd.s32 $0xFFFF3C80, v1;
	_ =	sdelay $0x4  }
0xea: {  	v2 =	vadd.s32 $0x40, v0;
	v1 =	vld.idx.msk [tilespmem:v1+s26+$0x0], vm12;
	_ =	sdelay $0x4  }
0xeb: {  	[tilespmem:v2+s10+$0x0] =	vst.idx.msk vm12, v1  }
0xec: {  	v1 =	vld [tilespmem:s15+$0x10];
	_ =	sdelay $0x4  }
0xed: {  	vm13 =	vgt.s32 v1, $0xC37F  }
0xee: {  	v1 =	vadd.s32 $0xFFFF3C80, v1;
	_ =	sdelay $0x4  }
0xef: {  	v2 =	vadd.s32 $0x50, v0;
	v1 =	vld.idx.msk [tilespmem:v1+s26+$0x0], vm13;
	_ =	sdelay $0x4  }
0xf0: {  	[tilespmem:v2+s10+$0x0] =	vst.idx.msk vm13, v1  }
0xf1: {  	v1 =	vld [tilespmem:s15+$0x20];
	_ =	sdelay $0x4  }
0xf2: {  	vm14 =	vgt.s32 v1, $0xC37F  }
0xf3: {  	v1 =	vadd.s32 $0xFFFF3C80, v1;
	_ =	sdelay $0x4  }
0xf4: {  	v2 =	vadd.s32 $0x60, v0;
	v1 =	vld.idx.msk [tilespmem:v1+s26+$0x0], vm14;
	_ =	sdelay $0x4  }
0xf5: {  	[tilespmem:v2+s10+$0x0] =	vst.idx.msk vm14, v1  }
0xf6: {  	v1 =	vld [tilespmem:s15+$0x30];
	_ =	sdelay $0x4  }
0xf7: {  	vm15 =	vgt.s32 v1, $0xC37F  }
0xf8: {  	v1 =	vadd.s32 $0xFFFF3C80, v1;
	_ =	sdelay $0x3  }
0xf9: {  	s6 =	sadd.s32 $0x8, s6  }
0xfa: {  	p0 =	slt.u32 s6, $0xF8;
	v2 =	vadd.s32 $0x70, v0;
	v1 =	vld.idx.msk [tilespmem:v1+s26+$0x0], vm15  }
.Ltmp3:
0xfb: {  	_ = 	snop;
	(pc) =	sbr.rel @p0 .LBB2_9-.Ltmp3, $2  }
0xfc: {  	_ =	sdelay $0x2  }
0xfd: {  	v0 =	vadd.s32 $0x80, v0;
	s15 =	sadd.s32 $0x80, s15;
	[tilespmem:v2+s10+$0x0] =	vst.idx.msk vm15, v1  }
0xfe: {  	s1 =	sadd.s32 s14, s1  }
0xff: {  	s1 =	sshrl.u32 s1, $0x3  }
0x100: {  	s1 =	sadd.s32 s2, s1  }
0x101: {  	[tilespmem:s26], [sflag:$0x2] =	stream.strided.gather [hbm4b:s1+s23], $0xC300, s24, s23, $0x38;
	[tilespmem:$0x1C700] =	vst v63  }
0x102: {  	s1 =	sshll.u32 s22, $0xD  }
0x103: {  	s6 =	sor.u32 s1, s18  }
0x104: {  	s6 =	sshrl.u32 s6, $0x3  }
0x105: {  	s8 =	simm.s32 $0x1A680;
	s15 =	sor.u32 s7, s19;
	s6 =	sadd.s32 s4, s6  }
0x106: {  	[tilespmem:s8], [sflag:$0x2] =	stream.linear.gather [hbm4b:s6+s28], $0x80, $0x38;
	[tilespmem:$0x1C700] =	vst v63  }
0x107: {  	p0 =	seq.s32 s12, $0xC;
	s6 =	sshrl.u32 s15, $0x3  }
0x108: {  	s7 =	sshll.u32 @!p0 s13, $0x9;
	s6 =	sadd.s32 s5, s6  }
0x109: {  	[hbm4b:s6+s23] =	stream.strided.scatter [tilespmem:s10], [sflag:$0x4], $0x1000, s24, s23, $0x38;
	[tilespmem:$0x1C700] =	vst v63  }
0x10a: {  	s7 =	sand.u32 @!p0 $0x3000, s7;
	s8 =	smov.u32 s21;
	s6 =	sshll.u32 @!p0 s13, $0x4  }
0x10b: {  	s15 =	simm.s32 @!p0 $0x400;
	_ =	swait.ge [sflag:s30], $0x1000;
	s6 =	sand.u32 @!p0 $0x70, s6  }
0x10c: {  	[sflag:s30] =	ssyncset.done $0x0;
	s6 =	sadd.s32 @!p0 s21, s6;
	s21 =	simm.s32 @!p0 $0x0  }
0x10d: {  	[sflag:s30] =	ssyncadd.s32 $0xFFFFF000;
	s6 =	sadd.s32 @!p0 s7, s6;
	s7 =	simm.s32 @!p0 $0x80  }
0x10e: {  	[tilespmem:s21], [sflag:$0x3] =	stream.strided.gather @!p0 [hbm4b:s6+s7], $0x1000, s15, s7, $0x38;
	[tilespmem:$0x1C700] =	vst v63  }
0x10f: {  	_ =	swait.ge [sflag:s11], $0x1000  }
0x110: {  	[sflag:s11] =	ssyncset.done $0x0  }
0x111: {  	[sflag:s11] =	ssyncadd.s32 $0xFFFFF000  }
0x112: {  	_ =	swait.ge [sflag:s3], $0xC380  }
0x113: {  	s12 =	sadd.s32 $0x1, s12;
	[sflag:s3] =	ssyncset.done $0x0  }
0x114: {  	v0 =	vlaneseq.u32;
	s6 =	simm.s32 $0xFFFFFFF8;
	s7 =	simm.s32 $0x1040;
	[sflag:s3] =	ssyncadd.s32 $0xFFFF3C80  }
.LBB2_11:
0x115: {  	v1 =	vld [tilespmem:s7+$0xFFFFFFC0];
	_ =	sdelay $0x4  }
0x116: {  	vm0 =	vlt.s32 v1, $0xC380;
	_ =	sdelay $0x5  }
0x117: {  	v1 =	vld.idx.msk [tilespmem:v1+s25+$0x0], vm0;
	_ =	sdelay $0x4  }
0x118: {  	[tilespmem:v0+s0+$0x0] =	vst.idx.msk vm0, v1  }
0x119: {  	v1 =	vld [tilespmem:s7+$0xFFFFFFD0];
	_ =	sdelay $0x4  }
0x11a: {  	vm9 =	vlt.s32 v1, $0xC380;
	_ =	sdelay $0x5  }
0x11b: {  	v2 =	vadd.s32 $0x10, v0;
	v1 =	vld.idx.msk [tilespmem:v1+s25+$0x0], vm9;
	_ =	sdelay $0x4  }
0x11c: {  	[tilespmem:v2+s0+$0x0] =	vst.idx.msk vm9, v1  }
0x11d: {  	v1 =	vld [tilespmem:s7+$0xFFFFFFE0];
	_ =	sdelay $0x4  }
0x11e: {  	vm10 =	vlt.s32 v1, $0xC380;
	_ =	sdelay $0x5  }
0x11f: {  	v2 =	vadd.s32 $0x20, v0;
	v1 =	vld.idx.msk [tilespmem:v1+s25+$0x0], vm10;
	_ =	sdelay $0x4  }
0x120: {  	[tilespmem:v2+s0+$0x0] =	vst.idx.msk vm10, v1  }
0x121: {  	v1 =	vld [tilespmem:s7+$0xFFFFFFF0];
	_ =	sdelay $0x4  }
0x122: {  	vm11 =	vlt.s32 v1, $0xC380;
	_ =	sdelay $0x5  }
0x123: {  	v2 =	vadd.s32 $0x30, v0;
	v1 =	vld.idx.msk [tilespmem:v1+s25+$0x0], vm11;
	_ =	sdelay $0x4  }
0x124: {  	[tilespmem:v2+s0+$0x0] =	vst.idx.msk vm11, v1  }
0x125: {  	v1 =	vld [tilespmem:s7+$0x0];
	_ =	sdelay $0x4  }
0x126: {  	vm12 =	vlt.s32 v1, $0xC380;
	_ =	sdelay $0x5  }
0x127: {  	v2 =	vadd.s32 $0x40, v0;
	v1 =	vld.idx.msk [tilespmem:v1+s25+$0x0], vm12;
	_ =	sdelay $0x4  }
0x128: {  	[tilespmem:v2+s0+$0x0] =	vst.idx.msk vm12, v1  }
0x129: {  	v1 =	vld [tilespmem:s7+$0x10];
	_ =	sdelay $0x4  }
0x12a: {  	vm13 =	vlt.s32 v1, $0xC380;
	_ =	sdelay $0x5  }
0x12b: {  	v2 =	vadd.s32 $0x50, v0;
	v1 =	vld.idx.msk [tilespmem:v1+s25+$0x0], vm13;
	_ =	sdelay $0x4  }
0x12c: {  	[tilespmem:v2+s0+$0x0] =	vst.idx.msk vm13, v1  }
0x12d: {  	v1 =	vld [tilespmem:s7+$0x20];
	_ =	sdelay $0x4  }
0x12e: {  	vm14 =	vlt.s32 v1, $0xC380;
	_ =	sdelay $0x5  }
0x12f: {  	v2 =	vadd.s32 $0x60, v0;
	v1 =	vld.idx.msk [tilespmem:v1+s25+$0x0], vm14;
	_ =	sdelay $0x4  }
0x130: {  	[tilespmem:v2+s0+$0x0] =	vst.idx.msk vm14, v1  }
0x131: {  	v1 =	vld [tilespmem:s7+$0x30];
	_ =	sdelay $0x4  }
0x132: {  	vm15 =	vlt.s32 v1, $0xC380;
	_ =	sdelay $0x4  }
0x133: {  	s6 =	sadd.s32 $0x8, s6  }
0x134: {  	p1 =	slt.u32 s6, $0xF8;
	v2 =	vadd.s32 $0x70, v0;
	v1 =	vld.idx.msk [tilespmem:v1+s25+$0x0], vm15  }
.Ltmp4:
0x135: {  	_ = 	snop;
	(pc) =	sbr.rel @p1 .LBB2_11-.Ltmp4, $2  }
0x136: {  	_ =	sdelay $0x2  }
0x137: {  	v0 =	vadd.s32 $0x80, v0;
	s7 =	sadd.s32 $0x80, s7;
	[tilespmem:v2+s0+$0x0] =	vst.idx.msk vm15, v1  }
0x138: {  	s7 =	sadd.s32 s16, s31  }
0x139: {  	s6 =	sor.u32 s9, s7  }
0x13a: {  	s6 =	sshrl.u32 s6, $0x3  }
0x13b: {  	s6 =	sadd.s32 s2, s6  }
0x13c: {  	[tilespmem:s25], [sflag:$0x1] =	stream.strided.gather [hbm4b:s6+s23], $0xC380, s24, s23, $0x38;
	[tilespmem:$0x1C700] =	vst v63  }
0x13d: {  	_ =	swait.ge [sflag:s29], $0xC300  }
0x13e: {  	[sflag:s29] =	ssyncset.done $0x0  }
0x13f: {  	[sflag:s29] =	ssyncadd.s32 $0xFFFF3D00  }
0x140: {  	_ =	swait.ge [sflag:s29], $0x80  }
0x141: {  	[sflag:s29] =	ssyncset.done $0x0  }
0x142: {  	v0 =	vlaneseq.u32;
	s15 =	simm.s32 $0x1040;
	s6 =	simm.s32 $0xFFFFFFF8;
	[sflag:s29] =	ssyncadd.s32 $0xFFFFFF80  }
.LBB2_13:
0x143: {  	v1 =	vld [tilespmem:s15+$0xFFFFFFC0];
	_ =	sdelay $0x4  }
0x144: {  	vm0 =	vgt.s32 v1, $0xC37F  }
0x145: {  	v1 =	vadd.s32 $0xFFFF3C80, v1;
	_ =	sdelay $0x4  }
0x146: {  	v1 =	vld.idx.msk [tilespmem:v1+s26+$0x0], vm0;
	_ =	sdelay $0x4  }
0x147: {  	[tilespmem:v0+s0+$0x0] =	vst.idx.msk vm0, v1  }
0x148: {  	v1 =	vld [tilespmem:s15+$0xFFFFFFD0];
	_ =	sdelay $0x4  }
0x149: {  	vm9 =	vgt.s32 v1, $0xC37F  }
0x14a: {  	v1 =	vadd.s32 $0xFFFF3C80, v1;
	_ =	sdelay $0x4  }
0x14b: {  	v2 =	vadd.s32 $0x10, v0;
	v1 =	vld.idx.msk [tilespmem:v1+s26+$0x0], vm9;
	_ =	sdelay $0x4  }
0x14c: {  	[tilespmem:v2+s0+$0x0] =	vst.idx.msk vm9, v1  }
0x14d: {  	v1 =	vld [tilespmem:s15+$0xFFFFFFE0];
	_ =	sdelay $0x4  }
0x14e: {  	vm10 =	vgt.s32 v1, $0xC37F  }
0x14f: {  	v1 =	vadd.s32 $0xFFFF3C80, v1;
	_ =	sdelay $0x4  }
0x150: {  	v2 =	vadd.s32 $0x20, v0;
	v1 =	vld.idx.msk [tilespmem:v1+s26+$0x0], vm10;
	_ =	sdelay $0x4  }
0x151: {  	[tilespmem:v2+s0+$0x0] =	vst.idx.msk vm10, v1  }
0x152: {  	v1 =	vld [tilespmem:s15+$0xFFFFFFF0];
	_ =	sdelay $0x4  }
0x153: {  	vm11 =	vgt.s32 v1, $0xC37F  }
0x154: {  	v1 =	vadd.s32 $0xFFFF3C80, v1;
	_ =	sdelay $0x4  }
0x155: {  	v2 =	vadd.s32 $0x30, v0;
	v1 =	vld.idx.msk [tilespmem:v1+s26+$0x0], vm11;
	_ =	sdelay $0x4  }
0x156: {  	[tilespmem:v2+s0+$0x0] =	vst.idx.msk vm11, v1  }
0x157: {  	v1 =	vld [tilespmem:s15+$0x0];
	_ =	sdelay $0x4  }
0x158: {  	vm12 =	vgt.s32 v1, $0xC37F  }
0x159: {  	v1 =	vadd.s32 $0xFFFF3C80, v1;
	_ =	sdelay $0x4  }
0x15a: {  	v2 =	vadd.s32 $0x40, v0;
	v1 =	vld.idx.msk [tilespmem:v1+s26+$0x0], vm12;
	_ =	sdelay $0x4  }
0x15b: {  	[tilespmem:v2+s0+$0x0] =	vst.idx.msk vm12, v1  }
0x15c: {  	v1 =	vld [tilespmem:s15+$0x10];
	_ =	sdelay $0x4  }
0x15d: {  	vm13 =	vgt.s32 v1, $0xC37F  }
0x15e: {  	v1 =	vadd.s32 $0xFFFF3C80, v1;
	_ =	sdelay $0x4  }
0x15f: {  	v2 =	vadd.s32 $0x50, v0;
	v1 =	vld.idx.msk [tilespmem:v1+s26+$0x0], vm13;
	_ =	sdelay $0x4  }
0x160: {  	[tilespmem:v2+s0+$0x0] =	vst.idx.msk vm13, v1  }
0x161: {  	v1 =	vld [tilespmem:s15+$0x20];
	_ =	sdelay $0x4  }
0x162: {  	vm14 =	vgt.s32 v1, $0xC37F  }
0x163: {  	v1 =	vadd.s32 $0xFFFF3C80, v1;
	_ =	sdelay $0x4  }
0x164: {  	v2 =	vadd.s32 $0x60, v0;
	v1 =	vld.idx.msk [tilespmem:v1+s26+$0x0], vm14;
	_ =	sdelay $0x4  }
0x165: {  	[tilespmem:v2+s0+$0x0] =	vst.idx.msk vm14, v1  }
0x166: {  	v1 =	vld [tilespmem:s15+$0x30];
	_ =	sdelay $0x4  }
0x167: {  	vm15 =	vgt.s32 v1, $0xC37F  }
0x168: {  	v1 =	vadd.s32 $0xFFFF3C80, v1;
	_ =	sdelay $0x3  }
0x169: {  	s6 =	sadd.s32 $0x8, s6  }
0x16a: {  	p1 =	slt.u32 s6, $0xF8;
	v2 =	vadd.s32 $0x70, v0;
	v1 =	vld.idx.msk [tilespmem:v1+s26+$0x0], vm15  }
.Ltmp5:
0x16b: {  	_ = 	snop;
	(pc) =	sbr.rel @p1 .LBB2_13-.Ltmp5, $2  }
0x16c: {  	_ =	sdelay $0x2  }
0x16d: {  	v0 =	vadd.s32 $0x80, v0;
	s15 =	sadd.s32 $0x80, s15;
	[tilespmem:v2+s0+$0x0] =	vst.idx.msk vm15, v1  }
0x16e: {  	s6 =	sadd.s32 s14, s7  }
0x16f: {  	s1 =	sor.u32 s1, s20;
	s6 =	sshrl.u32 s6, $0x3  }
0x170: {  	s1 =	sshrl.u32 s1, $0x3;
	s6 =	sadd.s32 s2, s6  }
0x171: {  	[tilespmem:s26], [sflag:$0x2] =	stream.strided.gather [hbm4b:s6+s23], $0xC300, s24, s23, $0x38;
	[tilespmem:$0x1C700] =	vst v63  }
0x172: {  	s21 =	simm.s32 $0x1A680;
	s1 =	sadd.s32 s4, s1  }
0x173: {  	[tilespmem:s21], [sflag:$0x2] =	stream.linear.gather [hbm4b:s1+s28], $0x80, $0x38;
	[tilespmem:$0x1C700] =	vst v63  }
0x174: {  	s1 =	sshll.u32 s22, $0x12  }
0x175: {  	s31 =	sor.u32 s1, s17  }
0x176: {  	s6 =	sshrl.u32 s31, $0x3  }
0x177: {  	s6 =	sadd.s32 s5, s6  }
0x178: {  	[hbm4b:s6+s23] =	stream.strided.scatter [tilespmem:s0], [sflag:$0x4], $0x1000, s24, s23, $0x38;
	[tilespmem:$0x1C700] =	vst v63  }
0x179: {  	_ =	swait.ge [sflag:s11], $0x1000  }
0x17a: {  	[sflag:s11] =	ssyncset.done $0x0  }
0x17b: {  	[sflag:s11] =	ssyncadd.s32 $0xFFFFF000  }
0x17c: {  	_ =	swait.ge [sflag:s3], $0xC380  }
0x17d: {  	[sflag:s3] =	ssyncset.done $0x0  }
0x17e: {  	v0 =	vlaneseq.u32;
	s7 =	simm.s32 $0x1040;
	s6 =	simm.s32 $0xFFFFFFF8;
	[sflag:s3] =	ssyncadd.s32 $0xFFFF3C80  }
.LBB2_15:
0x17f: {  	v1 =	vld [tilespmem:s7+$0xFFFFFFC0];
	_ =	sdelay $0x4  }
0x180: {  	vm0 =	vlt.s32 v1, $0xC380;
	_ =	sdelay $0x5  }
0x181: {  	v1 =	vld.idx.msk [tilespmem:v1+s25+$0x0], vm0;
	_ =	sdelay $0x4  }
0x182: {  	[tilespmem:v0+s10+$0x0] =	vst.idx.msk vm0, v1  }
0x183: {  	v1 =	vld [tilespmem:s7+$0xFFFFFFD0];
	_ =	sdelay $0x4  }
0x184: {  	vm9 =	vlt.s32 v1, $0xC380;
	_ =	sdelay $0x5  }
0x185: {  	v2 =	vadd.s32 $0x10, v0;
	v1 =	vld.idx.msk [tilespmem:v1+s25+$0x0], vm9;
	_ =	sdelay $0x4  }
0x186: {  	[tilespmem:v2+s10+$0x0] =	vst.idx.msk vm9, v1  }
0x187: {  	v1 =	vld [tilespmem:s7+$0xFFFFFFE0];
	_ =	sdelay $0x4  }
0x188: {  	vm10 =	vlt.s32 v1, $0xC380;
	_ =	sdelay $0x5  }
0x189: {  	v2 =	vadd.s32 $0x20, v0;
	v1 =	vld.idx.msk [tilespmem:v1+s25+$0x0], vm10;
	_ =	sdelay $0x4  }
0x18a: {  	[tilespmem:v2+s10+$0x0] =	vst.idx.msk vm10, v1  }
0x18b: {  	v1 =	vld [tilespmem:s7+$0xFFFFFFF0];
	_ =	sdelay $0x4  }
0x18c: {  	vm11 =	vlt.s32 v1, $0xC380;
	_ =	sdelay $0x5  }
0x18d: {  	v2 =	vadd.s32 $0x30, v0;
	v1 =	vld.idx.msk [tilespmem:v1+s25+$0x0], vm11;
	_ =	sdelay $0x4  }
0x18e: {  	[tilespmem:v2+s10+$0x0] =	vst.idx.msk vm11, v1  }
0x18f: {  	v1 =	vld [tilespmem:s7+$0x0];
	_ =	sdelay $0x4  }
0x190: {  	vm12 =	vlt.s32 v1, $0xC380;
	_ =	sdelay $0x5  }
0x191: {  	v2 =	vadd.s32 $0x40, v0;
	v1 =	vld.idx.msk [tilespmem:v1+s25+$0x0], vm12;
	_ =	sdelay $0x4  }
0x192: {  	[tilespmem:v2+s10+$0x0] =	vst.idx.msk vm12, v1  }
0x193: {  	v1 =	vld [tilespmem:s7+$0x10];
	_ =	sdelay $0x4  }
0x194: {  	vm13 =	vlt.s32 v1, $0xC380;
	_ =	sdelay $0x5  }
0x195: {  	v2 =	vadd.s32 $0x50, v0;
	v1 =	vld.idx.msk [tilespmem:v1+s25+$0x0], vm13;
	_ =	sdelay $0x4  }
0x196: {  	[tilespmem:v2+s10+$0x0] =	vst.idx.msk vm13, v1  }
0x197: {  	v1 =	vld [tilespmem:s7+$0x20];
	_ =	sdelay $0x4  }
0x198: {  	vm14 =	vlt.s32 v1, $0xC380;
	_ =	sdelay $0x5  }
0x199: {  	v2 =	vadd.s32 $0x60, v0;
	v1 =	vld.idx.msk [tilespmem:v1+s25+$0x0], vm14;
	_ =	sdelay $0x4  }
0x19a: {  	[tilespmem:v2+s10+$0x0] =	vst.idx.msk vm14, v1  }
0x19b: {  	v1 =	vld [tilespmem:s7+$0x30];
	_ =	sdelay $0x4  }
0x19c: {  	vm15 =	vlt.s32 v1, $0xC380;
	_ =	sdelay $0x4  }
0x19d: {  	s6 =	sadd.s32 $0x8, s6  }
0x19e: {  	p1 =	slt.u32 s6, $0xF8;
	v2 =	vadd.s32 $0x70, v0;
	v1 =	vld.idx.msk [tilespmem:v1+s25+$0x0], vm15  }
.Ltmp6:
0x19f: {  	_ = 	snop;
	(pc) =	sbr.rel @p1 .LBB2_15-.Ltmp6, $2  }
0x1a0: {  	_ =	sdelay $0x2  }
0x1a1: {  	v0 =	vadd.s32 $0x80, v0;
	s7 =	sadd.s32 $0x80, s7;
	[tilespmem:v2+s10+$0x0] =	vst.idx.msk vm15, v1  }
0x1a2: {  	s7 =	smul.u32 @!p0 $0x61C000, s13  }
0x1a3: {  	s6 =	rddreg [dreg:$0xb]  }
0x1a4: {  	s6 =	sadd.s32 @!p0 s6, s7  }
0x1a5: {  	s15 =	simm.s32 @!p0 $0x80;
	s6 =	sshrl.u32 @!p0 s6, $0x3  }
0x1a6: {  	s21 =	simm.s32 @!p0 $0x400;
	s22 =	simm.s32 @!p0 $0x2000;
	s6 =	sadd.s32 @!p0 s2, s6  }
0x1a7: {  	[tilespmem:s22], [sflag:$0x1] =	stream.strided.gather @!p0 [hbm4b:s6+s15], $0xC380, s21, s15, $0x38;
	[tilespmem:$0x1C700] =	vst v63  }
0x1a8: {  	_ =	swait.ge [sflag:s29], $0xC300  }
0x1a9: {  	[sflag:s29] =	ssyncset.done $0x0  }
0x1aa: {  	[sflag:s29] =	ssyncadd.s32 $0xFFFF3D00  }
0x1ab: {  	_ =	swait.ge [sflag:s29], $0x80  }
0x1ac: {  	[sflag:s29] =	ssyncset.done $0x0  }
0x1ad: {  	v0 =	vlaneseq.u32;
	s6 =	simm.s32 $0xFFFFFFF8;
	s15 =	simm.s32 $0x1040;
	[sflag:s29] =	ssyncadd.s32 $0xFFFFFF80  }
.LBB2_17:
0x1ae: {  	v1 =	vld [tilespmem:s15+$0xFFFFFFC0];
	_ =	sdelay $0x4  }
0x1af: {  	vm0 =	vgt.s32 v1, $0xC37F  }
0x1b0: {  	v1 =	vadd.s32 $0xFFFF3C80, v1;
	_ =	sdelay $0x4  }
0x1b1: {  	v1 =	vld.idx.msk [tilespmem:v1+s26+$0x0], vm0;
	_ =	sdelay $0x4  }
0x1b2: {  	[tilespmem:v0+s10+$0x0] =	vst.idx.msk vm0, v1  }
0x1b3: {  	v1 =	vld [tilespmem:s15+$0xFFFFFFD0];
	_ =	sdelay $0x4  }
0x1b4: {  	vm9 =	vgt.s32 v1, $0xC37F  }
0x1b5: {  	v1 =	vadd.s32 $0xFFFF3C80, v1;
	_ =	sdelay $0x4  }
0x1b6: {  	v2 =	vadd.s32 $0x10, v0;
	v1 =	vld.idx.msk [tilespmem:v1+s26+$0x0], vm9;
	_ =	sdelay $0x4  }
0x1b7: {  	[tilespmem:v2+s10+$0x0] =	vst.idx.msk vm9, v1  }
0x1b8: {  	v1 =	vld [tilespmem:s15+$0xFFFFFFE0];
	_ =	sdelay $0x4  }
0x1b9: {  	vm10 =	vgt.s32 v1, $0xC37F  }
0x1ba: {  	v1 =	vadd.s32 $0xFFFF3C80, v1;
	_ =	sdelay $0x4  }
0x1bb: {  	v2 =	vadd.s32 $0x20, v0;
	v1 =	vld.idx.msk [tilespmem:v1+s26+$0x0], vm10;
	_ =	sdelay $0x4  }
0x1bc: {  	[tilespmem:v2+s10+$0x0] =	vst.idx.msk vm10, v1  }
0x1bd: {  	v1 =	vld [tilespmem:s15+$0xFFFFFFF0];
	_ =	sdelay $0x4  }
0x1be: {  	vm11 =	vgt.s32 v1, $0xC37F  }
0x1bf: {  	v1 =	vadd.s32 $0xFFFF3C80, v1;
	_ =	sdelay $0x4  }
0x1c0: {  	v2 =	vadd.s32 $0x30, v0;
	v1 =	vld.idx.msk [tilespmem:v1+s26+$0x0], vm11;
	_ =	sdelay $0x4  }
0x1c1: {  	[tilespmem:v2+s10+$0x0] =	vst.idx.msk vm11, v1  }
0x1c2: {  	v1 =	vld [tilespmem:s15+$0x0];
	_ =	sdelay $0x4  }
0x1c3: {  	vm12 =	vgt.s32 v1, $0xC37F  }
0x1c4: {  	v1 =	vadd.s32 $0xFFFF3C80, v1;
	_ =	sdelay $0x4  }
0x1c5: {  	v2 =	vadd.s32 $0x40, v0;
	v1 =	vld.idx.msk [tilespmem:v1+s26+$0x0], vm12;
	_ =	sdelay $0x4  }
0x1c6: {  	[tilespmem:v2+s10+$0x0] =	vst.idx.msk vm12, v1  }
0x1c7: {  	v1 =	vld [tilespmem:s15+$0x10];
	_ =	sdelay $0x4  }
0x1c8: {  	vm13 =	vgt.s32 v1, $0xC37F  }
0x1c9: {  	v1 =	vadd.s32 $0xFFFF3C80, v1;
	_ =	sdelay $0x4  }
0x1ca: {  	v2 =	vadd.s32 $0x50, v0;
	v1 =	vld.idx.msk [tilespmem:v1+s26+$0x0], vm13;
	_ =	sdelay $0x4  }
0x1cb: {  	[tilespmem:v2+s10+$0x0] =	vst.idx.msk vm13, v1  }
0x1cc: {  	v1 =	vld [tilespmem:s15+$0x20];
	_ =	sdelay $0x4  }
0x1cd: {  	vm14 =	vgt.s32 v1, $0xC37F  }
0x1ce: {  	v1 =	vadd.s32 $0xFFFF3C80, v1;
	_ =	sdelay $0x4  }
0x1cf: {  	v2 =	vadd.s32 $0x60, v0;
	v1 =	vld.idx.msk [tilespmem:v1+s26+$0x0], vm14;
	_ =	sdelay $0x4  }
0x1d0: {  	[tilespmem:v2+s10+$0x0] =	vst.idx.msk vm14, v1  }
0x1d1: {  	v1 =	vld [tilespmem:s15+$0x30];
	_ =	sdelay $0x4  }
0x1d2: {  	vm15 =	vgt.s32 v1, $0xC37F  }
0x1d3: {  	v1 =	vadd.s32 $0xFFFF3C80, v1;
	_ =	sdelay $0x3  }
0x1d4: {  	s6 =	sadd.s32 $0x8, s6  }
0x1d5: {  	p1 =	slt.u32 s6, $0xF8;
	v2 =	vadd.s32 $0x70, v0;
	v1 =	vld.idx.msk [tilespmem:v1+s26+$0x0], vm15  }
.Ltmp7:
0x1d6: {  	_ = 	snop;
	(pc) =	sbr.rel @p1 .LBB2_17-.Ltmp7, $2  }
0x1d7: {  	_ =	sdelay $0x2  }
0x1d8: {  	v0 =	vadd.s32 $0x80, v0;
	s15 =	sadd.s32 $0x80, s15;
	[tilespmem:v2+s10+$0x0] =	vst.idx.msk vm15, v1  }
0x1d9: {  	s6 =	rddreg [dreg:$0xc]  }
0x1da: {  	s6 =	sadd.s32 @!p0 s7, s6  }
0x1db: {  	s15 =	simm.s32 @!p0 $0x400;
	s6 =	sshrl.u32 @!p0 s6, $0x3  }
0x1dc: {  	s21 =	simm.s32 @!p0 $0xE380;
	s7 =	simm.s32 @!p0 $0x80;
	s6 =	sadd.s32 @!p0 s2, s6  }
0x1dd: {  	[tilespmem:s21], [sflag:$0x2] =	stream.strided.gather @!p0 [hbm4b:s6+s7], $0xC300, s15, s7, $0x38;
	[tilespmem:$0x1C700] =	vst v63  }
0x1de: {  	s6 =	sshll.u32 @!p0 s13, $0xD  }
0x1df: {  	s6 =	sor.u32 @!p0 s18, s6  }
0x1e0: {  	s6 =	sshrl.u32 @!p0 s6, $0x3  }
0x1e1: {  	s7 =	simm.s32 @!p0 $0x0;
	s13 =	simm.s32 @!p0 $0x1A680;
	s6 =	sadd.s32 @!p0 s4, s6  }
0x1e2: {  	[tilespmem:s13], [sflag:$0x2] =	stream.linear.gather @!p0 [hbm4b:s6+s7], $0x80, $0x38;
	[tilespmem:$0x1C700] =	vst v63  }
0x1e3: {  	p0 =	sne.s32 s12, $0xD  }
.Ltmp8:
0x1e4: {  	_ = 	snop;
	(pc) =	sbr.rel @p0 .LBB2_2-.Ltmp8, $4  }
0x1e5: {  	s1 =	sor.u32 s1, s19  }
0x1e6: {  	s1 =	sshrl.u32 s1, $0x3  }
0x1e7: {  	s1 =	sadd.s32 s5, s1;
	s21 =	smov.u32 s8  }
0x1e8: {  	[hbm4b:s1+s23] =	stream.strided.scatter [tilespmem:s10], [sflag:$0x4], $0x1000, s24, s23, $0x38;
	[tilespmem:$0x1C700] =	vst v63  }
0x1e9: {  	_ =	swait.ge [sflag:s11], $0x1000  }
0x1ea: {  	[sflag:s11] =	ssyncset.done $0x0  }
0x1eb: {  	[sflag:s11] =	ssyncadd.s32 $0xFFFFF000  }
0x1ec: {  	_ =	swait.ge [sflag:s11], $0x1000  }
0x1ed: {  	s6 =	rddreg [dreg:$0xe]  }
0x1ee: {  	s1 =	rddreg [dreg:$0xd];
	s6 =	sadd.s32 $0x1, s6  }
0x1ef: {  	p0 =	sne.s32 s6, s1  }
.Ltmp9:
0x1f0: {  	_ = 	snop;
	(pc) =	sbr.rel @p0 .LBB2_1-.Ltmp9, $3  }
0x1f1: {  	_ =	sdelay $0x1  }
0x1f2: {  	[sflag:s11] =	ssyncset.done $0x0  }
0x1f3: {  	[sflag:s11] =	ssyncadd.s32 $0xFFFFF000  }
0x1f4: {  	_ =	sfence.sel $0x180000  }
0x1f5: {  	[bflag:$0x0] =	sbarrier.arrive $0xFFFF  }
0x1f6: {  	_ =	strace $0x90000047  }
0x1f7: {  	s0 =	stileid.u32;
	[bflag:$0x2] =	sbarrier.arrive $0xFFFF  }
0x1f8: {  	p0 =	sne.s32 s0, $0x0;
	s0 =	rddreg [dreg:$0x4]  }
0x1f9: {  	s0 =	sadd.s32 @!p0 $0x100000, s0  }
0x1fa: {  	[sflag:s0] =	ssyncadd.tile.s32 @!p0 $0x1;
	_ =	shalt  }
.Lfunc_end2:
_tile_overlayer_lowered:
.L_overlay_start_2:
0x1fb: {  	(tag) =	ssettag $0x2  }
0x1fc: {  	s0 =	rddreg [dreg:$0x0];
	s2 =	stileid.u32  }
0x1fd: {  	s1 =	rddreg [dreg:$0x1];
	p0 =	sne.s32 s2, $0x0  }
0x1fe: {  	s3 =	rddreg [dreg:$0x2];
	[bflag:$0x3] =	sbarrier.arrive $0xFFFF;
	s2 =	simm.s32 @!p0 $0x1C05  }
0x1ff: {  	[timem:s3], [sflag:s2] =	dma.local @!p0 [hbm:s0], s1  }
0x200: {  	s0 =	simm.s32 @!p0 $0x5  }
0x201: {  	_ =	swait.ge @!p0 [sflag:s0], s1  }
0x202: {  	s1 =	ssub.s32 @!p0 $0x0, s1;
	[sflag:s0] =	ssyncset.done @!p0 $0x0  }
0x203: {  	[sflag:s0] =	ssyncadd.s32 @!p0 s1  }
0x204: {  	[bflag:$0x3] =	sbarrier.arrive $0xFFFF  }
0x205: {  	_ =	shalt  }

</sc_bundles>
